<compile_context>
chip_gen: v7x
topology: tpu7x:2x2x1
jax: 0.10.2.dev20260603
libtpu: 0.0.44.dev20260713+nightly
codegen_flags: <defaults>
</compile_context>

<pallas_src>
import functools

import jax
import jax.numpy as jnp
from jax import lax
from jax.experimental import pallas as pl
from jax.experimental.pallas import tpu as pltpu
from jax.experimental.pallas import tpu_sc as plsc

_E = 64
_T = 32768
_ALPHA = 0.02
_NC, _NS, _L = 1, 16, 16
_NW = _NC * _NS
_IPW = _T // _NW
_EV = _E // _L

_LANES = 128

_mesh = plsc.VectorSubcoreMesh(core_axis_name="c", subcore_axis_name="s",
                               num_cores=_NC, num_subcores=_NS)


@functools.partial(
    pl.kernel,
    out_type=jax.ShapeDtypeStruct((_NW, _E), jnp.float32),
    mesh=_mesh,
    scratch_types=[
        pltpu.VMEM((_IPW,), jnp.int32),
        pltpu.VMEM((_L * _E,), jnp.float32),
        pltpu.VMEM((_E,), jnp.float32),
    ],
    compiler_params=pltpu.CompilerParams(needs_layout_passes=False),
)
def _hist(idx_hbm, counts_out, idx_v, hist_v, cnt_v):
    wid = lax.axis_index("s") * _NC + lax.axis_index("c")
    base = wid * _IPW
    pltpu.sync_copy(idx_hbm.at[pl.ds(base, _IPW)], idx_v)

    zero16 = jnp.zeros((_L,), jnp.float32)

    def zbody(i, c):
        hist_v[pl.ds(i * _L, _L)] = zero16
        return c
    lax.fori_loop(0, _E, zbody, 0)

    lane = lax.iota(jnp.int32, _L) * _E
    ones = jnp.ones((_L,), jnp.float32)

    def hbody(i, c):
        for u in range(4):
            idx = idx_v[pl.ds(i * 4 * _L + u * _L, _L)]
            plsc.addupdate_scatter(hist_v, [lane + idx], ones)
        return c
    lax.fori_loop(0, _IPW // (4 * _L), hbody, 0)

    def cbody(l, acc):
        return tuple(acc[j] + hist_v[pl.ds(l * _E + j * _L, _L)]
                     for j in range(_EV))
    cnt = lax.fori_loop(0, _L, cbody, (zero16,) * _EV)
    for j in range(_EV):
        cnt_v[pl.ds(j * _L, _L)] = cnt[j]

    pltpu.sync_copy(cnt_v, counts_out.at[wid])


def _colsum_body(probs_ref, out_ref):
    acc = jnp.zeros((_E, _LANES), jnp.float32)
    for j in range(_T // _LANES):
        acc = acc + probs_ref[:, j * _LANES:(j + 1) * _LANES]
    out_ref[...] = jnp.sum(acc, axis=1, keepdims=True).T


_colsum = pl.pallas_call(
    _colsum_body,
    in_specs=[pl.BlockSpec(memory_space=pltpu.VMEM)],
    out_specs=pl.BlockSpec(memory_space=pltpu.VMEM),
    out_shape=jax.ShapeDtypeStruct((1, _E), jnp.float32),
)


def kernel(router_probs, expert_idx):
    counts_part = _hist(expert_idx)
    colsum = _colsum(router_probs.T)
    weighted = counts_part * colsum
    s = jnp.sum(weighted)
    total = jnp.sum(counts_part)
    loss = (_ALPHA * _E / _T) * s / jnp.where(total < 1e-9, 1.0, total)
    return jnp.where(total < 1e-9, 0.0, loss)

# --- scband reference (transcript-rebuilt; emitter-appended) ---
"""Pipeline reference for scband-switch-aux-loss-17239998726376 (READ-ONLY COPY).

The authoritative reference and input builder live on the scoring server;
editing this copy changes nothing except your own understanding.
"""

import jax, jax.numpy as jnp
import numpy as np

NUM_EXPERTS = 64
ALPHA = 0.02
WINDOW_SIZE = 1024


def setup_inputs(seed: int = 0) -> dict:
    key = jax.random.key(seed)
    k1, k2 = jax.random.split(key)
    T = 32768
    router_probs = jax.random.uniform(k1, (T, NUM_EXPERTS), dtype=jnp.float32)
    expert_idx = jax.random.randint(k2, (T,), 0, NUM_EXPERTS, dtype=jnp.int32)
    return {"router_probs": router_probs, "expert_idx": expert_idx}


def reference(router_probs, expert_idx):
    E = NUM_EXPERTS
    B = expert_idx.size
    # _update_buffer: buffer starts at zeros (fresh module), decayed then += batch hist
    batch_hist = jnp.bincount(expert_idx, minlength=E, length=E).astype(jnp.float32)
    decay = max(0.0, (WINDOW_SIZE - B) / WINDOW_SIZE)
    expert_counts = jnp.zeros((E,), dtype=jnp.float32) * decay + batch_hist
    total = expert_counts.sum()
    f_i = expert_counts / jnp.where(total < 1e-9, 1.0, total)
    P_i = router_probs.mean(axis=0)
    loss = ALPHA * E * (f_i * P_i).sum()
    zero = router_probs.sum() * 0.0
    return jnp.where(total < 1e-9, zero, loss)

if __name__ == "__main__":
    import jax
    _d = setup_inputs()
    print(jax.jit(kernel)(*tuple(_d.values())))

</pallas_src>

<mosaic_0001>
#map = affine_map<(d0, d1) -> (0)>
#map1 = affine_map<(d0, d1) -> (0, 0)>
module attributes {stable_mosaic.version = 14 : i64} {
  func.func @_hist(%arg0: i32, %arg1: i32, %arg2: memref<32768xi32, #tpu.memory_space<hbm>>, %arg3: memref<16x64xf32, #tpu.memory_space<hbm>>, %arg4: memref<2048xi32, #tpu.memory_space<vmem>>, %arg5: memref<1024xf32, #tpu.memory_space<vmem>>, %arg6: memref<64xf32, #tpu.memory_space<vmem>>) attributes {dimension_semantics = [#tpu.dimension_semantics<core_parallel>, #tpu.dimension_semantics<subcore_parallel>], iteration_bounds = array<i64: 1, 16>, scalar_prefetch = 0 : i64, scratch_operands = 3 : i64, tpu.core_type = #tpu.core_type<sc_vector_subcore>, window_params = [{transform_indices = #map}, {transform_indices = #map1}]} {
    %mul3A = arith.constant 1 : i32
    %mul3A_0 = arith.muli %arg1, %mul3A : i32
    %add3A = arith.addi %mul3A_0, %arg0 : i32
    %mul3A_1 = arith.constant 2048 : i32
    %mul3A_2 = arith.muli %add3A, %mul3A_1 : i32
    "tpu.region"() ({
      %run_scoped3A = tpu.sem_alloc : memref<!tpu.dma_semaphore, #tpu.memory_space<semaphore_mem>>
      %dma_start3A = tpu.memref_slice %arg2[%mul3A_2] : memref<32768xi32, #tpu.memory_space<hbm>> -> memref<2048xi32, #tpu.memory_space<hbm>>
      %dma_start3A_33 = tpu.memref_slice %arg2[%mul3A_2] : memref<32768xi32, #tpu.memory_space<hbm>> -> memref<2048xi32, #tpu.memory_space<hbm>>
      tpu.enqueue_dma source(%dma_start3A_33 : memref<2048xi32, #tpu.memory_space<hbm>>) target(%arg4 : memref<2048xi32, #tpu.memory_space<vmem>>) target_semaphore(%run_scoped3A : memref<!tpu.dma_semaphore, #tpu.memory_space<semaphore_mem>>)
      %dma_wait3A = tpu.memref_slice %arg2[%mul3A_2] : memref<32768xi32, #tpu.memory_space<hbm>> -> memref<2048xi32, #tpu.memory_space<hbm>>
      %dma_wait3A_34 = tpu.memref_slice %arg2[%mul3A_2] : memref<32768xi32, #tpu.memory_space<hbm>> -> memref<2048xi32, #tpu.memory_space<hbm>>
      tpu.wait_dma2 semaphore(%run_scoped3A : memref<!tpu.dma_semaphore, #tpu.memory_space<semaphore_mem>>) src(%dma_wait3A_34 : memref<2048xi32, #tpu.memory_space<hbm>>) dst(%arg4 : memref<2048xi32, #tpu.memory_space<vmem>>)
      tpu.yield
    }) : () -> ()
    %broadcast_in_dim3A = arith.constant 0.000000e+00 : f32
    %broadcast_in_dim3A_3 = vector.broadcast %broadcast_in_dim3A : f32 to vector<16xf32>
    %scan3A = arith.constant 0 : i32
    %scan3A_4 = arith.constant 0 : i32
    %scan3A_5 = arith.constant 64 : i32
    %scan3A_6 = arith.addi %scan3A_4, %scan3A_5 : i32
    %scan3A_7 = arith.constant 1 : i32
    scf.for %scan3A_33 = %scan3A_4 to %scan3A_6 step %scan3A_7  : i32 {
      %mul3A_34 = arith.constant 16 : i32
      %mul3A_35 = arith.muli %scan3A_33, %mul3A_34 : i32
      %swap3A_36 = arith.index_cast %mul3A_35 : i32 to index
      %swap3A_37 = tpu.vector_load %arg5[%swap3A_36] {strides = array<i32>} : memref<1024xf32, #tpu.memory_space<vmem>>, vector<16xf32>,
      tpu.vector_store %arg5[%swap3A_36], %broadcast_in_dim3A_3 {strides = array<i32>} : memref<1024xf32, #tpu.memory_space<vmem>>, vector<16xf32>,
    }
    %scan3A_8 = arith.constant 64 : i32
    %iota3A = tpu.iota {dimensions = array<i32: 0>} : vector<16xi32>
    %mul3A_9 = arith.constant 64 : i32
    %mul3A_10 = vector.broadcast %mul3A_9 : i32 to vector<16xi32>
    %mul3A_11 = arith.muli %iota3A, %mul3A_10 : vector<16xi32>
    %broadcast_in_dim3A_12 = arith.constant 1.000000e+00 : f32
    %broadcast_in_dim3A_13 = vector.broadcast %broadcast_in_dim3A_12 : f32 to vector<16xf32>
    %scan3A_14 = arith.constant 0 : i32
    %scan3A_15 = arith.constant 0 : i32
    %scan3A_16 = arith.constant 32 : i32
    %scan3A_17 = arith.addi %scan3A_15, %scan3A_16 : i32
    %scan3A_18 = arith.constant 1 : i32
    scf.for %scan3A_33 = %scan3A_15 to %scan3A_17 step %scan3A_18  : i32 {
      %mul3A_34 = arith.constant 4 : i32
      %mul3A_35 = arith.muli %scan3A_33, %mul3A_34 : i32
      %mul3A_36 = arith.constant 16 : i32
      %mul3A_37 = arith.muli %mul3A_35, %mul3A_36 : i32
      %add3A_38 = arith.constant 0 : i32
      %add3A_39 = arith.addi %mul3A_37, %add3A_38 : i32
      %get3A = arith.index_cast %add3A_39 : i32 to index
      %get3A_40 = tpu.vector_load %arg4[%get3A] {strides = array<i32>} : memref<2048xi32, #tpu.memory_space<vmem>>, vector<16xi32>,
      %add3A_41 = arith.addi %mul3A_11, %get3A_40 : vector<16xi32>
      tpu.vector_store_idx %arg5[%add3A_41], %broadcast_in_dim3A_13 {add = true} : memref<1024xf32, #tpu.memory_space<vmem>>[vector<16xi32>], vector<16xf32>,
      %mul3A_42 = arith.constant 4 : i32
      %mul3A_43 = arith.muli %scan3A_33, %mul3A_42 : i32
      %mul3A_44 = arith.constant 16 : i32
      %mul3A_45 = arith.muli %mul3A_43, %mul3A_44 : i32
      %add3A_46 = arith.constant 16 : i32
      %add3A_47 = arith.addi %mul3A_45, %add3A_46 : i32
      %get3A_48 = arith.index_cast %add3A_47 : i32 to index
      %get3A_49 = tpu.vector_load %arg4[%get3A_48] {strides = array<i32>} : memref<2048xi32, #tpu.memory_space<vmem>>, vector<16xi32>,
      %add3A_50 = arith.addi %mul3A_11, %get3A_49 : vector<16xi32>
      tpu.vector_store_idx %arg5[%add3A_50], %broadcast_in_dim3A_13 {add = true} : memref<1024xf32, #tpu.memory_space<vmem>>[vector<16xi32>], vector<16xf32>,
      %mul3A_51 = arith.constant 4 : i32
      %mul3A_52 = arith.muli %scan3A_33, %mul3A_51 : i32
      %mul3A_53 = arith.constant 16 : i32
      %mul3A_54 = arith.muli %mul3A_52, %mul3A_53 : i32
      %add3A_55 = arith.constant 32 : i32
      %add3A_56 = arith.addi %mul3A_54, %add3A_55 : i32
      %get3A_57 = arith.index_cast %add3A_56 : i32 to index
      %get3A_58 = tpu.vector_load %arg4[%get3A_57] {strides = array<i32>} : memref<2048xi32, #tpu.memory_space<vmem>>, vector<16xi32>,
      %add3A_59 = arith.addi %mul3A_11, %get3A_58 : vector<16xi32>
      tpu.vector_store_idx %arg5[%add3A_59], %broadcast_in_dim3A_13 {add = true} : memref<1024xf32, #tpu.memory_space<vmem>>[vector<16xi32>], vector<16xf32>,
      %mul3A_60 = arith.constant 4 : i32
      %mul3A_61 = arith.muli %scan3A_33, %mul3A_60 : i32
      %mul3A_62 = arith.constant 16 : i32
      %mul3A_63 = arith.muli %mul3A_61, %mul3A_62 : i32
      %add3A_64 = arith.constant 48 : i32
      %add3A_65 = arith.addi %mul3A_63, %add3A_64 : i32
      %get3A_66 = arith.index_cast %add3A_65 : i32 to index
      %get3A_67 = tpu.vector_load %arg4[%get3A_66] {strides = array<i32>} : memref<2048xi32, #tpu.memory_space<vmem>>, vector<16xi32>,
      %add3A_68 = arith.addi %mul3A_11, %get3A_67 : vector<16xi32>
      tpu.vector_store_idx %arg5[%add3A_68], %broadcast_in_dim3A_13 {add = true} : memref<1024xf32, #tpu.memory_space<vmem>>[vector<16xi32>], vector<16xf32>,
    }
    %scan3A_19 = arith.constant 32 : i32
    %scan3A_20 = arith.constant 0 : i32
    %scan3A_21 = arith.constant 16 : i32
    %scan3A_22 = arith.addi %scan3A_20, %scan3A_21 : i32
    %scan3A_23 = arith.constant 1 : i32
    %scan3A_24:4 = scf.for %scan3A_33 = %scan3A_20 to %scan3A_22 step %scan3A_23 iter_args(%scan3A_34 = %broadcast_in_dim3A_3, %scan3A_35 = %broadcast_in_dim3A_3, %scan3A_36 = %broadcast_in_dim3A_3, %scan3A_37 = %broadcast_in_dim3A_3) -> (vector<16xf32>, vector<16xf32>, vector<16xf32>, vector<16xf32>)  : i32 {
      %mul3A_38 = arith.constant 64 : i32
      %mul3A_39 = arith.muli %scan3A_33, %mul3A_38 : i32
      %add3A_40 = arith.constant 0 : i32
      %add3A_41 = arith.addi %mul3A_39, %add3A_40 : i32
      %get3A = arith.index_cast %add3A_41 : i32 to index
      %get3A_42 = tpu.vector_load %arg5[%get3A] {strides = array<i32>} : memref<1024xf32, #tpu.memory_space<vmem>>, vector<16xf32>,
      %add3A_43 = arith.addf %scan3A_34, %get3A_42 : vector<16xf32>
      %mul3A_44 = arith.constant 64 : i32
      %mul3A_45 = arith.muli %scan3A_33, %mul3A_44 : i32
      %add3A_46 = arith.constant 16 : i32
      %add3A_47 = arith.addi %mul3A_45, %add3A_46 : i32
      %get3A_48 = arith.index_cast %add3A_47 : i32 to index
      %get3A_49 = tpu.vector_load %arg5[%get3A_48] {strides = array<i32>} : memref<1024xf32, #tpu.memory_space<vmem>>, vector<16xf32>,
      %add3A_50 = arith.addf %scan3A_35, %get3A_49 : vector<16xf32>
      %mul3A_51 = arith.constant 64 : i32
      %mul3A_52 = arith.muli %scan3A_33, %mul3A_51 : i32
      %add3A_53 = arith.constant 32 : i32
      %add3A_54 = arith.addi %mul3A_52, %add3A_53 : i32
      %get3A_55 = arith.index_cast %add3A_54 : i32 to index
      %get3A_56 = tpu.vector_load %arg5[%get3A_55] {strides = array<i32>} : memref<1024xf32, #tpu.memory_space<vmem>>, vector<16xf32>,
      %add3A_57 = arith.addf %scan3A_36, %get3A_56 : vector<16xf32>
      %mul3A_58 = arith.constant 64 : i32
      %mul3A_59 = arith.muli %scan3A_33, %mul3A_58 : i32
      %add3A_60 = arith.constant 48 : i32
      %add3A_61 = arith.addi %mul3A_59, %add3A_60 : i32
      %get3A_62 = arith.index_cast %add3A_61 : i32 to index
      %get3A_63 = tpu.vector_load %arg5[%get3A_62] {strides = array<i32>} : memref<1024xf32, #tpu.memory_space<vmem>>, vector<16xf32>,
      %add3A_64 = arith.addf %scan3A_37, %get3A_63 : vector<16xf32>
      scf.yield %add3A_43, %add3A_50, %add3A_57, %add3A_64 : vector<16xf32>, vector<16xf32>, vector<16xf32>, vector<16xf32>
    }
    %scan3A_25 = arith.constant 16 : i32
    %swap3A = arith.constant 0 : index
    %swap3A_26 = tpu.vector_load %arg6[%swap3A] {strides = array<i32>} : memref<64xf32, #tpu.memory_space<vmem>>, vector<16xf32>,
    tpu.vector_store %arg6[%swap3A], %scan3A_24#0 {strides = array<i32>} : memref<64xf32, #tpu.memory_space<vmem>>, vector<16xf32>,
    %swap3A_27 = arith.constant 16 : index
    %swap3A_28 = tpu.vector_load %arg6[%swap3A_27] {strides = array<i32>} : memref<64xf32, #tpu.memory_space<vmem>>, vector<16xf32>,
    tpu.vector_store %arg6[%swap3A_27], %scan3A_24#1 {strides = array<i32>} : memref<64xf32, #tpu.memory_space<vmem>>, vector<16xf32>,
    %swap3A_29 = arith.constant 32 : index
    %swap3A_30 = tpu.vector_load %arg6[%swap3A_29] {strides = array<i32>} : memref<64xf32, #tpu.memory_space<vmem>>, vector<16xf32>,
    tpu.vector_store %arg6[%swap3A_29], %scan3A_24#2 {strides = array<i32>} : memref<64xf32, #tpu.memory_space<vmem>>, vector<16xf32>,
    %swap3A_31 = arith.constant 48 : index
    %swap3A_32 = tpu.vector_load %arg6[%swap3A_31] {strides = array<i32>} : memref<64xf32, #tpu.memory_space<vmem>>, vector<16xf32>,
    tpu.vector_store %arg6[%swap3A_31], %scan3A_24#3 {strides = array<i32>} : memref<64xf32, #tpu.memory_space<vmem>>, vector<16xf32>,
    "tpu.region"() ({
      %run_scoped3A = tpu.sem_alloc : memref<!tpu.dma_semaphore, #tpu.memory_space<semaphore_mem>>
      %dma_start3A = arith.constant 0 : i32
      %dma_start3A_33 = tpu.memref_slice %arg3[%add3A, %dma_start3A] : memref<16x64xf32, #tpu.memory_space<hbm>> -> memref<1x64xf32, #tpu.memory_space<hbm>>
      %dma_start3A_34 = tpu.memref_squeeze %dma_start3A_33 : memref<1x64xf32, #tpu.memory_space<hbm>> -> memref<64xf32, #tpu.memory_space<hbm>>
      %dma_start3A_35 = arith.constant 0 : i32
      %dma_start3A_36 = tpu.memref_slice %arg3[%add3A, %dma_start3A_35] : memref<16x64xf32, #tpu.memory_space<hbm>> -> memref<1x64xf32, #tpu.memory_space<hbm>>
      %dma_start3A_37 = tpu.memref_squeeze %dma_start3A_36 : memref<1x64xf32, #tpu.memory_space<hbm>> -> memref<64xf32, #tpu.memory_space<hbm>>
      tpu.enqueue_dma source(%arg6 : memref<64xf32, #tpu.memory_space<vmem>>) target(%dma_start3A_37 : memref<64xf32, #tpu.memory_space<hbm>>) target_semaphore(%run_scoped3A : memref<!tpu.dma_semaphore, #tpu.memory_space<semaphore_mem>>)
      %dma_wait3A = arith.constant 0 : i32
      %dma_wait3A_38 = tpu.memref_slice %arg3[%add3A, %dma_wait3A] : memref<16x64xf32, #tpu.memory_space<hbm>> -> memref<1x64xf32, #tpu.memory_space<hbm>>
      %dma_wait3A_39 = tpu.memref_squeeze %dma_wait3A_38 : memref<1x64xf32, #tpu.memory_space<hbm>> -> memref<64xf32, #tpu.memory_space<hbm>>
      %dma_wait3A_40 = arith.constant 0 : i32
      %dma_wait3A_41 = tpu.memref_slice %arg3[%add3A, %dma_wait3A_40] : memref<16x64xf32, #tpu.memory_space<hbm>> -> memref<1x64xf32, #tpu.memory_space<hbm>>
      %dma_wait3A_42 = tpu.memref_squeeze %dma_wait3A_41 : memref<1x64xf32, #tpu.memory_space<hbm>> -> memref<64xf32, #tpu.memory_space<hbm>>
      tpu.wait_dma2 semaphore(%run_scoped3A : memref<!tpu.dma_semaphore, #tpu.memory_space<semaphore_mem>>) src(%arg6 : memref<64xf32, #tpu.memory_space<vmem>>) dst(%dma_wait3A_42 : memref<64xf32, #tpu.memory_space<hbm>>)
      tpu.yield
    }) : () -> ()
    return
  }
}

module attributes {stable_mosaic.version = 14 : i64} {
  func.func @_colsum_body(%arg0: memref<64x32768xf32, #tpu.memory_space<vmem>>, %arg1: memref<1x64xf32, #tpu.memory_space<vmem>>) attributes {dimension_semantics = [], scalar_prefetch = 0 : i64, scratch_operands = 0 : i64, tpu.core_type = #tpu.core_type<tc>} {
    %broadcast_in_dim3A = arith.constant 0.000000e+00 : f32
    %broadcast_in_dim3A_0 = vector.broadcast %broadcast_in_dim3A : f32 to vector<64x128xf32>
    %get3A = arith.constant 0 : index
    %get3A_1 = arith.constant 0 : index
    %get3A_2 = vector.load %arg0[%get3A, %get3A_1] : memref<64x32768xf32, #tpu.memory_space<vmem>>, vector<64x128xf32>
    %add3A = arith.addf %broadcast_in_dim3A_0, %get3A_2 : vector<64x128xf32>
    %get3A_3 = arith.constant 0 : index
    %get3A_4 = arith.constant 128 : index
    %get3A_5 = vector.load %arg0[%get3A_3, %get3A_4] : memref<64x32768xf32, #tpu.memory_space<vmem>>, vector<64x128xf32>
    %add3A_6 = arith.addf %add3A, %get3A_5 : vector<64x128xf32>
    %get3A_7 = arith.constant 0 : index
    %get3A_8 = arith.constant 256 : index
    %get3A_9 = vector.load %arg0[%get3A_7, %get3A_8] : memref<64x32768xf32, #tpu.memory_space<vmem>>, vector<64x128xf32>
    %add3A_10 = arith.addf %add3A_6, %get3A_9 : vector<64x128xf32>
    %get3A_11 = arith.constant 0 : index
    %get3A_12 = arith.constant 384 : index
    %get3A_13 = vector.load %arg0[%get3A_11, %get3A_12] : memref<64x32768xf32, #tpu.memory_space<vmem>>, vector<64x128xf32>
    %add3A_14 = arith.addf %add3A_10, %get3A_13 : vector<64x128xf32>
    %get3A_15 = arith.constant 0 : index
    %get3A_16 = arith.constant 512 : index
    %get3A_17 = vector.load %arg0[%get3A_15, %get3A_16] : memref<64x32768xf32, #tpu.memory_space<vmem>>, vector<64x128xf32>
    %add3A_18 = arith.addf %add3A_14, %get3A_17 : vector<64x128xf32>
    %get3A_19 = arith.constant 0 : index
    %get3A_20 = arith.constant 640 : index
    %get3A_21 = vector.load %arg0[%get3A_19, %get3A_20] : memref<64x32768xf32, #tpu.memory_space<vmem>>, vector<64x128xf32>
    %add3A_22 = arith.addf %add3A_18, %get3A_21 : vector<64x128xf32>
    %get3A_23 = arith.constant 0 : index
    %get3A_24 = arith.constant 768 : index
    %get3A_25 = vector.load %arg0[%get3A_23, %get3A_24] : memref<64x32768xf32, #tpu.memory_space<vmem>>, vector<64x128xf32>
    %add3A_26 = arith.addf %add3A_22, %get3A_25 : vector<64x128xf32>
    %get3A_27 = arith.constant 0 : index
    %get3A_28 = arith.constant 896 : index
    %get3A_29 = vector.load %arg0[%get3A_27, %get3A_28] : memref<64x32768xf32, #tpu.memory_space<vmem>>, vector<64x128xf32>
    %add3A_30 = arith.addf %add3A_26, %get3A_29 : vector<64x128xf32>
    %get3A_31 = arith.constant 0 : index
    %get3A_32 = arith.constant 1024 : index
    %get3A_33 = vector.load %arg0[%get3A_31, %get3A_32] : memref<64x32768xf32, #tpu.memory_space<vmem>>, vector<64x128xf32>
    %add3A_34 = arith.addf %add3A_30, %get3A_33 : vector<64x128xf32>
    %get3A_35 = arith.constant 0 : index
    %get3A_36 = arith.constant 1152 : index
    %get3A_37 = vector.load %arg0[%get3A_35, %get3A_36] : memref<64x32768xf32, #tpu.memory_space<vmem>>, vector<64x128xf32>
    %add3A_38 = arith.addf %add3A_34, %get3A_37 : vector<64x128xf32>
    %get3A_39 = arith.constant 0 : index
    %get3A_40 = arith.constant 1280 : index
    %get3A_41 = vector.load %arg0[%get3A_39, %get3A_40] : memref<64x32768xf32, #tpu.memory_space<vmem>>, vector<64x128xf32>
    %add3A_42 = arith.addf %add3A_38, %get3A_41 : vector<64x128xf32>
    %get3A_43 = arith.constant 0 : index
    %get3A_44 = arith.constant 1408 : index
    %get3A_45 = vector.load %arg0[%get3A_43, %get3A_44] : memref<64x32768xf32, #tpu.memory_space<vmem>>, vector<64x128xf32>
    %add3A_46 = arith.addf %add3A_42, %get3A_45 : vector<64x128xf32>
    %get3A_47 = arith.constant 0 : index
    %get3A_48 = arith.constant 1536 : index
    %get3A_49 = vector.load %arg0[%get3A_47, %get3A_48] : memref<64x32768xf32, #tpu.memory_space<vmem>>, vector<64x128xf32>
    %add3A_50 = arith.addf %add3A_46, %get3A_49 : vector<64x128xf32>
    %get3A_51 = arith.constant 0 : index
    %get3A_52 = arith.constant 1664 : index
    %get3A_53 = vector.load %arg0[%get3A_51, %get3A_52] : memref<64x32768xf32, #tpu.memory_space<vmem>>, vector<64x128xf32>
    %add3A_54 = arith.addf %add3A_50, %get3A_53 : vector<64x128xf32>
    %get3A_55 = arith.constant 0 : index
    %get3A_56 = arith.constant 1792 : index
    %get3A_57 = vector.load %arg0[%get3A_55, %get3A_56] : memref<64x32768xf32, #tpu.memory_space<vmem>>, vector<64x128xf32>
    %add3A_58 = arith.addf %add3A_54, %get3A_57 : vector<64x128xf32>
    %get3A_59 = arith.constant 0 : index
    %get3A_60 = arith.constant 1920 : index
    %get3A_61 = vector.load %arg0[%get3A_59, %get3A_60] : memref<64x32768xf32, #tpu.memory_space<vmem>>, vector<64x128xf32>
    %add3A_62 = arith.addf %add3A_58, %get3A_61 : vector<64x128xf32>
    %get3A_63 = arith.constant 0 : index
    %get3A_64 = arith.constant 2048 : index
    %get3A_65 = vector.load %arg0[%get3A_63, %get3A_64] : memref<64x32768xf32, #tpu.memory_space<vmem>>, vector<64x128xf32>
    %add3A_66 = arith.addf %add3A_62, %get3A_65 : vector<64x128xf32>
    %get3A_67 = arith.constant 0 : index
    %get3A_68 = arith.constant 2176 : index
    %get3A_69 = vector.load %arg0[%get3A_67, %get3A_68] : memref<64x32768xf32, #tpu.memory_space<vmem>>, vector<64x128xf32>
    %add3A_70 = arith.addf %add3A_66, %get3A_69 : vector<64x128xf32>
    %get3A_71 = arith.constant 0 : index
    %get3A_72 = arith.constant 2304 : index
    %get3A_73 = vector.load %arg0[%get3A_71, %get3A_72] : memref<64x32768xf32, #tpu.memory_space<vmem>>, vector<64x128xf32>
    %add3A_74 = arith.addf %add3A_70, %get3A_73 : vector<64x128xf32>
    %get3A_75 = arith.constant 0 : index
    %get3A_76 = arith.constant 2432 : index
    %get3A_77 = vector.load %arg0[%get3A_75, %get3A_76] : memref<64x32768xf32, #tpu.memory_space<vmem>>, vector<64x128xf32>
    %add3A_78 = arith.addf %add3A_74, %get3A_77 : vector<64x128xf32>
    %get3A_79 = arith.constant 0 : index
    %get3A_80 = arith.constant 2560 : index
    %get3A_81 = vector.load %arg0[%get3A_79, %get3A_80] : memref<64x32768xf32, #tpu.memory_space<vmem>>, vector<64x128xf32>
    %add3A_82 = arith.addf %add3A_78, %get3A_81 : vector<64x128xf32>
    %get3A_83 = arith.constant 0 : index
    %get3A_84 = arith.constant 2688 : index
    %get3A_85 = vector.load %arg0[%get3A_83, %get3A_84] : memref<64x32768xf32, #tpu.memory_space<vmem>>, vector<64x128xf32>
    %add3A_86 = arith.addf %add3A_82, %get3A_85 : vector<64x128xf32>
    %get3A_87 = arith.constant 0 : index
    %get3A_88 = arith.constant 2816 : index
    %get3A_89 = vector.load %arg0[%get3A_87, %get3A_88] : memref<64x32768xf32, #tpu.memory_space<vmem>>, vector<64x128xf32>
    %add3A_90 = arith.addf %add3A_86, %get3A_89 : vector<64x128xf32>
    %get3A_91 = arith.constant 0 : index
    %get3A_92 = arith.constant 2944 : index
    %get3A_93 = vector.load %arg0[%get3A_91, %get3A_92] : memref<64x32768xf32, #tpu.memory_space<vmem>>, vector<64x128xf32>
    %add3A_94 = arith.addf %add3A_90, %get3A_93 : vector<64x128xf32>
    %get3A_95 = arith.constant 0 : index
    %get3A_96 = arith.constant 3072 : index
    %get3A_97 = vector.load %arg0[%get3A_95, %get3A_96] : memref<64x32768xf32, #tpu.memory_space<vmem>>, vector<64x128xf32>
    %add3A_98 = arith.addf %add3A_94, %get3A_97 : vector<64x128xf32>
    %get3A_99 = arith.constant 0 : index
    %get3A_100 = arith.constant 3200 : index
    %get3A_101 = vector.load %arg0[%get3A_99, %get3A_100] : memref<64x32768xf32, #tpu.memory_space<vmem>>, vector<64x128xf32>
    %add3A_102 = arith.addf %add3A_98, %get3A_101 : vector<64x128xf32>
    %get3A_103 = arith.constant 0 : index
    %get3A_104 = arith.constant 3328 : index
    %get3A_105 = vector.load %arg0[%get3A_103, %get3A_104] : memref<64x32768xf32, #tpu.memory_space<vmem>>, vector<64x128xf32>
    %add3A_106 = arith.addf %add3A_102, %get3A_105 : vector<64x128xf32>
    %get3A_107 = arith.constant 0 : index
    %get3A_108 = arith.constant 3456 : index
    %get3A_109 = vector.load %arg0[%get3A_107, %get3A_108] : memref<64x32768xf32, #tpu.memory_space<vmem>>, vector<64x128xf32>
    %add3A_110 = arith.addf %add3A_106, %get3A_109 : vector<64x128xf32>
    %get3A_111 = arith.constant 0 : index
    %get3A_112 = arith.constant 3584 : index
    %get3A_113 = vector.load %arg0[%get3A_111, %get3A_112] : memref<64x32768xf32, #tpu.memory_space<vmem>>, vector<64x128xf32>
    %add3A_114 = arith.addf %add3A_110, %get3A_113 : vector<64x128xf32>
    %get3A_115 = arith.constant 0 : index
    %get3A_116 = arith.constant 3712 : index
    %get3A_117 = vector.load %arg0[%get3A_115, %get3A_116] : memref<64x32768xf32, #tpu.memory_space<vmem>>, vector<64x128xf32>
    %add3A_118 = arith.addf %add3A_114, %get3A_117 : vector<64x128xf32>
    %get3A_119 = arith.constant 0 : index
    %get3A_120 = arith.constant 3840 : index
    %get3A_121 = vector.load %arg0[%get3A_119, %get3A_120] : memref<64x32768xf32, #tpu.memory_space<vmem>>, vector<64x128xf32>
    %add3A_122 = arith.addf %add3A_118, %get3A_121 : vector<64x128xf32>
    %get3A_123 = arith.constant 0 : index
    %get3A_124 = arith.constant 3968 : index
    %get3A_125 = vector.load %arg0[%get3A_123, %get3A_124] : memref<64x32768xf32, #tpu.memory_space<vmem>>, vector<64x128xf32>
    %add3A_126 = arith.addf %add3A_122, %get3A_125 : vector<64x128xf32>
    %get3A_127 = arith.constant 0 : index
    %get3A_128 = arith.constant 4096 : index
    %get3A_129 = vector.load %arg0[%get3A_127, %get3A_128] : memref<64x32768xf32, #tpu.memory_space<vmem>>, vector<64x128xf32>
    %add3A_130 = arith.addf %add3A_126, %get3A_129 : vector<64x128xf32>
    %get3A_131 = arith.constant 0 : index
    %get3A_132 = arith.constant 4224 : index
    %get3A_133 = vector.load %arg0[%get3A_131, %get3A_132] : memref<64x32768xf32, #tpu.memory_space<vmem>>, vector<64x128xf32>
    %add3A_134 = arith.addf %add3A_130, %get3A_133 : vector<64x128xf32>
    %get3A_135 = arith.constant 0 : index
    %get3A_136 = arith.constant 4352 : index
    %get3A_137 = vector.load %arg0[%get3A_135, %get3A_136] : memref<64x32768xf32, #tpu.memory_space<vmem>>, vector<64x128xf32>
    %add3A_138 = arith.addf %add3A_134, %get3A_137 : vector<64x128xf32>
    %get3A_139 = arith.constant 0 : index
    %get3A_140 = arith.constant 4480 : index
    %get3A_141 = vector.load %arg0[%get3A_139, %get3A_140] : memref<64x32768xf32, #tpu.memory_space<vmem>>, vector<64x128xf32>
    %add3A_142 = arith.addf %add3A_138, %get3A_141 : vector<64x128xf32>
    %get3A_143 = arith.constant 0 : index
    %get3A_144 = arith.constant 4608 : index
    %get3A_145 = vector.load %arg0[%get3A_143, %get3A_144] : memref<64x32768xf32, #tpu.memory_space<vmem>>, vector<64x128xf32>
    %add3A_146 = arith.addf %add3A_142, %get3A_145 : vector<64x128xf32>
    %get3A_147 = arith.constant 0 : index
    %get3A_148 = arith.constant 4736 : index
    %get3A_149 = vector.load %arg0[%get3A_147, %get3A_148] : memref<64x32768xf32, #tpu.memory_space<vmem>>, vector<64x128xf32>
    %add3A_150 = arith.addf %add3A_146, %get3A_149 : vector<64x128xf32>
    %get3A_151 = arith.constant 0 : index
    %get3A_152 = arith.constant 4864 : index
    %get3A_153 = vector.load %arg0[%get3A_151, %get3A_152] : memref<64x32768xf32, #tpu.memory_space<vmem>>, vector<64x128xf32>
    %add3A_154 = arith.addf %add3A_150, %get3A_153 : vector<64x128xf32>
    %get3A_155 = arith.constant 0 : index
    %get3A_156 = arith.constant 4992 : index
    %get3A_157 = vector.load %arg0[%get3A_155, %get3A_156] : memref<64x32768xf32, #tpu.memory_space<vmem>>, vector<64x128xf32>
    %add3A_158 = arith.addf %add3A_154, %get3A_157 : vector<64x128xf32>
    %get3A_159 = arith.constant 0 : index
    %get3A_160 = arith.constant 5120 : index
    %get3A_161 = vector.load %arg0[%get3A_159, %get3A_160] : memref<64x32768xf32, #tpu.memory_space<vmem>>, vector<64x128xf32>
    %add3A_162 = arith.addf %add3A_158, %get3A_161 : vector<64x128xf32>
    %get3A_163 = arith.constant 0 : index
    %get3A_164 = arith.constant 5248 : index
    %get3A_165 = vector.load %arg0[%get3A_163, %get3A_164] : memref<64x32768xf32, #tpu.memory_space<vmem>>, vector<64x128xf32>
    %add3A_166 = arith.addf %add3A_162, %get3A_165 : vector<64x128xf32>
    %get3A_167 = arith.constant 0 : index
    %get3A_168 = arith.constant 5376 : index
    %get3A_169 = vector.load %arg0[%get3A_167, %get3A_168] : memref<64x32768xf32, #tpu.memory_space<vmem>>, vector<64x128xf32>
    %add3A_170 = arith.addf %add3A_166, %get3A_169 : vector<64x128xf32>
    %get3A_171 = arith.constant 0 : index
    %get3A_172 = arith.constant 5504 : index
    %get3A_173 = vector.load %arg0[%get3A_171, %get3A_172] : memref<64x32768xf32, #tpu.memory_space<vmem>>, vector<64x128xf32>
    %add3A_174 = arith.addf %add3A_170, %get3A_173 : vector<64x128xf32>
    %get3A_175 = arith.constant 0 : index
    %get3A_176 = arith.constant 5632 : index
    %get3A_177 = vector.load %arg0[%get3A_175, %get3A_176] : memref<64x32768xf32, #tpu.memory_space<vmem>>, vector<64x128xf32>
    %add3A_178 = arith.addf %add3A_174, %get3A_177 : vector<64x128xf32>
    %get3A_179 = arith.constant 0 : index
    %get3A_180 = arith.constant 5760 : index
    %get3A_181 = vector.load %arg0[%get3A_179, %get3A_180] : memref<64x32768xf32, #tpu.memory_space<vmem>>, vector<64x128xf32>
    %add3A_182 = arith.addf %add3A_178, %get3A_181 : vector<64x128xf32>
    %get3A_183 = arith.constant 0 : index
    %get3A_184 = arith.constant 5888 : index
    %get3A_185 = vector.load %arg0[%get3A_183, %get3A_184] : memref<64x32768xf32, #tpu.memory_space<vmem>>, vector<64x128xf32>
    %add3A_186 = arith.addf %add3A_182, %get3A_185 : vector<64x128xf32>
    %get3A_187 = arith.constant 0 : index
    %get3A_188 = arith.constant 6016 : index
    %get3A_189 = vector.load %arg0[%get3A_187, %get3A_188] : memref<64x32768xf32, #tpu.memory_space<vmem>>, vector<64x128xf32>
    %add3A_190 = arith.addf %add3A_186, %get3A_189 : vector<64x128xf32>
    %get3A_191 = arith.constant 0 : index
    %get3A_192 = arith.constant 6144 : index
    %get3A_193 = vector.load %arg0[%get3A_191, %get3A_192] : memref<64x32768xf32, #tpu.memory_space<vmem>>, vector<64x128xf32>
    %add3A_194 = arith.addf %add3A_190, %get3A_193 : vector<64x128xf32>
    %get3A_195 = arith.constant 0 : index
    %get3A_196 = arith.constant 6272 : index
    %get3A_197 = vector.load %arg0[%get3A_195, %get3A_196] : memref<64x32768xf32, #tpu.memory_space<vmem>>, vector<64x128xf32>
    %add3A_198 = arith.addf %add3A_194, %get3A_197 : vector<64x128xf32>
    %get3A_199 = arith.constant 0 : index
    %get3A_200 = arith.constant 6400 : index
    %get3A_201 = vector.load %arg0[%get3A_199, %get3A_200] : memref<64x32768xf32, #tpu.memory_space<vmem>>, vector<64x128xf32>
    %add3A_202 = arith.addf %add3A_198, %get3A_201 : vector<64x128xf32>
    %get3A_203 = arith.constant 0 : index
    %get3A_204 = arith.constant 6528 : index
    %get3A_205 = vector.load %arg0[%get3A_203, %get3A_204] : memref<64x32768xf32, #tpu.memory_space<vmem>>, vector<64x128xf32>
    %add3A_206 = arith.addf %add3A_202, %get3A_205 : vector<64x128xf32>
    %get3A_207 = arith.constant 0 : index
    %get3A_208 = arith.constant 6656 : index
    %get3A_209 = vector.load %arg0[%get3A_207, %get3A_208] : memref<64x32768xf32, #tpu.memory_space<vmem>>, vector<64x128xf32>
    %add3A_210 = arith.addf %add3A_206, %get3A_209 : vector<64x128xf32>
    %get3A_211 = arith.constant 0 : index
    %get3A_212 = arith.constant 6784 : index
    %get3A_213 = vector.load %arg0[%get3A_211, %get3A_212] : memref<64x32768xf32, #tpu.memory_space<vmem>>, vector<64x128xf32>
    %add3A_214 = arith.addf %add3A_210, %get3A_213 : vector<64x128xf32>
    %get3A_215 = arith.constant 0 : index
    %get3A_216 = arith.constant 6912 : index
    %get3A_217 = vector.load %arg0[%get3A_215, %get3A_216] : memref<64x32768xf32, #tpu.memory_space<vmem>>, vector<64x128xf32>
    %add3A_218 = arith.addf %add3A_214, %get3A_217 : vector<64x128xf32>
    %get3A_219 = arith.constant 0 : index
    %get3A_220 = arith.constant 7040 : index
    %get3A_221 = vector.load %arg0[%get3A_219, %get3A_220] : memref<64x32768xf32, #tpu.memory_space<vmem>>, vector<64x128xf32>
    %add3A_222 = arith.addf %add3A_218, %get3A_221 : vector<64x128xf32>
    %get3A_223 = arith.constant 0 : index
    %get3A_224 = arith.constant 7168 : index
    %get3A_225 = vector.load %arg0[%get3A_223, %get3A_224] : memref<64x32768xf32, #tpu.memory_space<vmem>>, vector<64x128xf32>
    %add3A_226 = arith.addf %add3A_222, %get3A_225 : vector<64x128xf32>
    %get3A_227 = arith.constant 0 : index
    %get3A_228 = arith.constant 7296 : index
    %get3A_229 = vector.load %arg0[%get3A_227, %get3A_228] : memref<64x32768xf32, #tpu.memory_space<vmem>>, vector<64x128xf32>
    %add3A_230 = arith.addf %add3A_226, %get3A_229 : vector<64x128xf32>
    %get3A_231 = arith.constant 0 : index
    %get3A_232 = arith.constant 7424 : index
    %get3A_233 = vector.load %arg0[%get3A_231, %get3A_232] : memref<64x32768xf32, #tpu.memory_space<vmem>>, vector<64x128xf32>
    %add3A_234 = arith.addf %add3A_230, %get3A_233 : vector<64x128xf32>
    %get3A_235 = arith.constant 0 : index
    %get3A_236 = arith.constant 7552 : index
    %get3A_237 = vector.load %arg0[%get3A_235, %get3A_236] : memref<64x32768xf32, #tpu.memory_space<vmem>>, vector<64x128xf32>
    %add3A_238 = arith.addf %add3A_234, %get3A_237 : vector<64x128xf32>
    %get3A_239 = arith.constant 0 : index
    %get3A_240 = arith.constant 7680 : index
    %get3A_241 = vector.load %arg0[%get3A_239, %get3A_240] : memref<64x32768xf32, #tpu.memory_space<vmem>>, vector<64x128xf32>
    %add3A_242 = arith.addf %add3A_238, %get3A_241 : vector<64x128xf32>
    %get3A_243 = arith.constant 0 : index
    %get3A_244 = arith.constant 7808 : index
    %get3A_245 = vector.load %arg0[%get3A_243, %get3A_244] : memref<64x32768xf32, #tpu.memory_space<vmem>>, vector<64x128xf32>
    %add3A_246 = arith.addf %add3A_242, %get3A_245 : vector<64x128xf32>
    %get3A_247 = arith.constant 0 : index
    %get3A_248 = arith.constant 7936 : index
    %get3A_249 = vector.load %arg0[%get3A_247, %get3A_248] : memref<64x32768xf32, #tpu.memory_space<vmem>>, vector<64x128xf32>
    %add3A_250 = arith.addf %add3A_246, %get3A_249 : vector<64x128xf32>
    %get3A_251 = arith.constant 0 : index
    %get3A_252 = arith.constant 8064 : index
    %get3A_253 = vector.load %arg0[%get3A_251, %get3A_252] : memref<64x32768xf32, #tpu.memory_space<vmem>>, vector<64x128xf32>
    %add3A_254 = arith.addf %add3A_250, %get3A_253 : vector<64x128xf32>
    %get3A_255 = arith.constant 0 : index
    %get3A_256 = arith.constant 8192 : index
    %get3A_257 = vector.load %arg0[%get3A_255, %get3A_256] : memref<64x32768xf32, #tpu.memory_space<vmem>>, vector<64x128xf32>
    %add3A_258 = arith.addf %add3A_254, %get3A_257 : vector<64x128xf32>
    %get3A_259 = arith.constant 0 : index
    %get3A_260 = arith.constant 8320 : index
    %get3A_261 = vector.load %arg0[%get3A_259, %get3A_260] : memref<64x32768xf32, #tpu.memory_space<vmem>>, vector<64x128xf32>
    %add3A_262 = arith.addf %add3A_258, %get3A_261 : vector<64x128xf32>
    %get3A_263 = arith.constant 0 : index
    %get3A_264 = arith.constant 8448 : index
    %get3A_265 = vector.load %arg0[%get3A_263, %get3A_264] : memref<64x32768xf32, #tpu.memory_space<vmem>>, vector<64x128xf32>
    %add3A_266 = arith.addf %add3A_262, %get3A_265 : vector<64x128xf32>
    %get3A_267 = arith.constant 0 : index
    %get3A_268 = arith.constant 8576 : index
    %get3A_269 = vector.load %arg0[%get3A_267, %get3A_268] : memref<64x32768xf32, #tpu.memory_space<vmem>>, vector<64x128xf32>
    %add3A_270 = arith.addf %add3A_266, %get3A_269 : vector<64x128xf32>
    %get3A_271 = arith.constant 0 : index
    %get3A_272 = arith.constant 8704 : index
    %get3A_273 = vector.load %arg0[%get3A_271, %get3A_272] : memref<64x32768xf32, #tpu.memory_space<vmem>>, vector<64x128xf32>
    %add3A_274 = arith.addf %add3A_270, %get3A_273 : vector<64x128xf32>
    %get3A_275 = arith.constant 0 : index
    %get3A_276 = arith.constant 8832 : index
    %get3A_277 = vector.load %arg0[%get3A_275, %get3A_276] : memref<64x32768xf32, #tpu.memory_space<vmem>>, vector<64x128xf32>
    %add3A_278 = arith.addf %add3A_274, %get3A_277 : vector<64x128xf32>
    %get3A_279 = arith.constant 0 : index
    %get3A_280 = arith.constant 8960 : index
    %get3A_281 = vector.load %arg0[%get3A_279, %get3A_280] : memref<64x32768xf32, #tpu.memory_space<vmem>>, vector<64x128xf32>
    %add3A_282 = arith.addf %add3A_278, %get3A_281 : vector<64x128xf32>
    %get3A_283 = arith.constant 0 : index
    %get3A_284 = arith.constant 9088 : index
    %get3A_285 = vector.load %arg0[%get3A_283, %get3A_284] : memref<64x32768xf32, #tpu.memory_space<vmem>>, vector<64x128xf32>
    %add3A_286 = arith.addf %add3A_282, %get3A_285 : vector<64x128xf32>
    %get3A_287 = arith.constant 0 : index
    %get3A_288 = arith.constant 9216 : index
    %get3A_289 = vector.load %arg0[%get3A_287, %get3A_288] : memref<64x32768xf32, #tpu.memory_space<vmem>>, vector<64x128xf32>
    %add3A_290 = arith.addf %add3A_286, %get3A_289 : vector<64x128xf32>
    %get3A_291 = arith.constant 0 : index
    %get3A_292 = arith.constant 9344 : index
    %get3A_293 = vector.load %arg0[%get3A_291, %get3A_292] : memref<64x32768xf32, #tpu.memory_space<vmem>>, vector<64x128xf32>
    %add3A_294 = arith.addf %add3A_290, %get3A_293 : vector<64x128xf32>
    %get3A_295 = arith.constant 0 : index
    %get3A_296 = arith.constant 9472 : index
    %get3A_297 = vector.load %arg0[%get3A_295, %get3A_296] : memref<64x32768xf32, #tpu.memory_space<vmem>>, vector<64x128xf32>
    %add3A_298 = arith.addf %add3A_294, %get3A_297 : vector<64x128xf32>
    %get3A_299 = arith.constant 0 : index
    %get3A_300 = arith.constant 9600 : index
    %get3A_301 = vector.load %arg0[%get3A_299, %get3A_300] : memref<64x32768xf32, #tpu.memory_space<vmem>>, vector<64x128xf32>
    %add3A_302 = arith.addf %add3A_298, %get3A_301 : vector<64x128xf32>
    %get3A_303 = arith.constant 0 : index
    %get3A_304 = arith.constant 9728 : index
    %get3A_305 = vector.load %arg0[%get3A_303, %get3A_304] : memref<64x32768xf32, #tpu.memory_space<vmem>>, vector<64x128xf32>
    %add3A_306 = arith.addf %add3A_302, %get3A_305 : vector<64x128xf32>
    %get3A_307 = arith.constant 0 : index
    %get3A_308 = arith.constant 9856 : index
    %get3A_309 = vector.load %arg0[%get3A_307, %get3A_308] : memref<64x32768xf32, #tpu.memory_space<vmem>>, vector<64x128xf32>
    %add3A_310 = arith.addf %add3A_306, %get3A_309 : vector<64x128xf32>
    %get3A_311 = arith.constant 0 : index
    %get3A_312 = arith.constant 9984 : index
    %get3A_313 = vector.load %arg0[%get3A_311, %get3A_312] : memref<64x32768xf32, #tpu.memory_space<vmem>>, vector<64x128xf32>
    %add3A_314 = arith.addf %add3A_310, %get3A_313 : vector<64x128xf32>
    %get3A_315 = arith.constant 0 : index
    %get3A_316 = arith.constant 10112 : index
    %get3A_317 = vector.load %arg0[%get3A_315, %get3A_316] : memref<64x32768xf32, #tpu.memory_space<vmem>>, vector<64x128xf32>
    %add3A_318 = arith.addf %add3A_314, %get3A_317 : vector<64x128xf32>
    %get3A_319 = arith.constant 0 : index
    %get3A_320 = arith.constant 10240 : index
    %get3A_321 = vector.load %arg0[%get3A_319, %get3A_320] : memref<64x32768xf32, #tpu.memory_space<vmem>>, vector<64x128xf32>
    %add3A_322 = arith.addf %add3A_318, %get3A_321 : vector<64x128xf32>
    %get3A_323 = arith.constant 0 : index
    %get3A_324 = arith.constant 10368 : index
    %get3A_325 = vector.load %arg0[%get3A_323, %get3A_324] : memref<64x32768xf32, #tpu.memory_space<vmem>>, vector<64x128xf32>
    %add3A_326 = arith.addf %add3A_322, %get3A_325 : vector<64x128xf32>
    %get3A_327 = arith.constant 0 : index
    %get3A_328 = arith.constant 10496 : index
    %get3A_329 = vector.load %arg0[%get3A_327, %get3A_328] : memref<64x32768xf32, #tpu.memory_space<vmem>>, vector<64x128xf32>
    %add3A_330 = arith.addf %add3A_326, %get3A_329 : vector<64x128xf32>
    %get3A_331 = arith.constant 0 : index
    %get3A_332 = arith.constant 10624 : index
    %get3A_333 = vector.load %arg0[%get3A_331, %get3A_332] : memref<64x32768xf32, #tpu.memory_space<vmem>>, vector<64x128xf32>
    %add3A_334 = arith.addf %add3A_330, %get3A_333 : vector<64x128xf32>
    %get3A_335 = arith.constant 0 : index
    %get3A_336 = arith.constant 10752 : index
    %get3A_337 = vector.load %arg0[%get3A_335, %get3A_336] : memref<64x32768xf32, #tpu.memory_space<vmem>>, vector<64x128xf32>
    %add3A_338 = arith.addf %add3A_334, %get3A_337 : vector<64x128xf32>
    %get3A_339 = arith.constant 0 : index
    %get3A_340 = arith.constant 10880 : index
    %get3A_341 = vector.load %arg0[%get3A_339, %get3A_340] : memref<64x32768xf32, #tpu.memory_space<vmem>>, vector<64x128xf32>
    %add3A_342 = arith.addf %add3A_338, %get3A_341 : vector<64x128xf32>
    %get3A_343 = arith.constant 0 : index
    %get3A_344 = arith.constant 11008 : index
    %get3A_345 = vector.load %arg0[%get3A_343, %get3A_344] : memref<64x32768xf32, #tpu.memory_space<vmem>>, vector<64x128xf32>
    %add3A_346 = arith.addf %add3A_342, %get3A_345 : vector<64x128xf32>
    %get3A_347 = arith.constant 0 : index
    %get3A_348 = arith.constant 11136 : index
    %get3A_349 = vector.load %arg0[%get3A_347, %get3A_348] : memref<64x32768xf32, #tpu.memory_space<vmem>>, vector<64x128xf32>
    %add3A_350 = arith.addf %add3A_346, %get3A_349 : vector<64x128xf32>
    %get3A_351 = arith.constant 0 : index
    %get3A_352 = arith.constant 11264 : index
    %get3A_353 = vector.load %arg0[%get3A_351, %get3A_352] : memref<64x32768xf32, #tpu.memory_space<vmem>>, vector<64x128xf32>
    %add3A_354 = arith.addf %add3A_350, %get3A_353 : vector<64x128xf32>
    %get3A_355 = arith.constant 0 : index
    %get3A_356 = arith.constant 11392 : index
    %get3A_357 = vector.load %arg0[%get3A_355, %get3A_356] : memref<64x32768xf32, #tpu.memory_space<vmem>>, vector<64x128xf32>
    %add3A_358 = arith.addf %add3A_354, %get3A_357 : vector<64x128xf32>
    %get3A_359 = arith.constant 0 : index
    %get3A_360 = arith.constant 11520 : index
    %get3A_361 = vector.load %arg0[%get3A_359, %get3A_360] : memref<64x32768xf32, #tpu.memory_space<vmem>>, vector<64x128xf32>
    %add3A_362 = arith.addf %add3A_358, %get3A_361 : vector<64x128xf32>
    %get3A_363 = arith.constant 0 : index
    %get3A_364 = arith.constant 11648 : index
    %get3A_365 = vector.load %arg0[%get3A_363, %get3A_364] : memref<64x32768xf32, #tpu.memory_space<vmem>>, vector<64x128xf32>
    %add3A_366 = arith.addf %add3A_362, %get3A_365 : vector<64x128xf32>
    %get3A_367 = arith.constant 0 : index
    %get3A_368 = arith.constant 11776 : index
    %get3A_369 = vector.load %arg0[%get3A_367, %get3A_368] : memref<64x32768xf32, #tpu.memory_space<vmem>>, vector<64x128xf32>
    %add3A_370 = arith.addf %add3A_366, %get3A_369 : vector<64x128xf32>
    %get3A_371 = arith.constant 0 : index
    %get3A_372 = arith.constant 11904 : index
    %get3A_373 = vector.load %arg0[%get3A_371, %get3A_372] : memref<64x32768xf32, #tpu.memory_space<vmem>>, vector<64x128xf32>
    %add3A_374 = arith.addf %add3A_370, %get3A_373 : vector<64x128xf32>
    %get3A_375 = arith.constant 0 : index
    %get3A_376 = arith.constant 12032 : index
    %get3A_377 = vector.load %arg0[%get3A_375, %get3A_376] : memref<64x32768xf32, #tpu.memory_space<vmem>>, vector<64x128xf32>
    %add3A_378 = arith.addf %add3A_374, %get3A_377 : vector<64x128xf32>
    %get3A_379 = arith.constant 0 : index
    %get3A_380 = arith.constant 12160 : index
    %get3A_381 = vector.load %arg0[%get3A_379, %get3A_380] : memref<64x32768xf32, #tpu.memory_space<vmem>>, vector<64x128xf32>
    %add3A_382 = arith.addf %add3A_378, %get3A_381 : vector<64x128xf32>
    %get3A_383 = arith.constant 0 : index
    %get3A_384 = arith.constant 12288 : index
    %get3A_385 = vector.load %arg0[%get3A_383, %get3A_384] : memref<64x32768xf32, #tpu.memory_space<vmem>>, vector<64x128xf32>
    %add3A_386 = arith.addf %add3A_382, %get3A_385 : vector<64x128xf32>
    %get3A_387 = arith.constant 0 : index
    %get3A_388 = arith.constant 12416 : index
    %get3A_389 = vector.load %arg0[%get3A_387, %get3A_388] : memref<64x32768xf32, #tpu.memory_space<vmem>>, vector<64x128xf32>
    %add3A_390 = arith.addf %add3A_386, %get3A_389 : vector<64x128xf32>
    %get3A_391 = arith.constant 0 : index
    %get3A_392 = arith.constant 12544 : index
    %get3A_393 = vector.load %arg0[%get3A_391, %get3A_392] : memref<64x32768xf32, #tpu.memory_space<vmem>>, vector<64x128xf32>
    %add3A_394 = arith.addf %add3A_390, %get3A_393 : vector<64x128xf32>
    %get3A_395 = arith.constant 0 : index
    %get3A_396 = arith.constant 12672 : index
    %get3A_397 = vector.load %arg0[%get3A_395, %get3A_396] : memref<64x32768xf32, #tpu.memory_space<vmem>>, vector<64x128xf32>
    %add3A_398 = arith.addf %add3A_394, %get3A_397 : vector<64x128xf32>
    %get3A_399 = arith.constant 0 : index
    %get3A_400 = arith.constant 12800 : index
    %get3A_401 = vector.load %arg0[%get3A_399, %get3A_400] : memref<64x32768xf32, #tpu.memory_space<vmem>>, vector<64x128xf32>
    %add3A_402 = arith.addf %add3A_398, %get3A_401 : vector<64x128xf32>
    %get3A_403 = arith.constant 0 : index
    %get3A_404 = arith.constant 12928 : index
    %get3A_405 = vector.load %arg0[%get3A_403, %get3A_404] : memref<64x32768xf32, #tpu.memory_space<vmem>>, vector<64x128xf32>
    %add3A_406 = arith.addf %add3A_402, %get3A_405 : vector<64x128xf32>
    %get3A_407 = arith.constant 0 : index
    %get3A_408 = arith.constant 13056 : index
    %get3A_409 = vector.load %arg0[%get3A_407, %get3A_408] : memref<64x32768xf32, #tpu.memory_space<vmem>>, vector<64x128xf32>
    %add3A_410 = arith.addf %add3A_406, %get3A_409 : vector<64x128xf32>
    %get3A_411 = arith.constant 0 : index
    %get3A_412 = arith.constant 13184 : index
    %get3A_413 = vector.load %arg0[%get3A_411, %get3A_412] : memref<64x32768xf32, #tpu.memory_space<vmem>>, vector<64x128xf32>
    %add3A_414 = arith.addf %add3A_410, %get3A_413 : vector<64x128xf32>
    %get3A_415 = arith.constant 0 : index
    %get3A_416 = arith.constant 13312 : index
    %get3A_417 = vector.load %arg0[%get3A_415, %get3A_416] : memref<64x32768xf32, #tpu.memory_space<vmem>>, vector<64x128xf32>
    %add3A_418 = arith.addf %add3A_414, %get3A_417 : vector<64x128xf32>
    %get3A_419 = arith.constant 0 : index
    %get3A_420 = arith.constant 13440 : index
    %get3A_421 = vector.load %arg0[%get3A_419, %get3A_420] : memref<64x32768xf32, #tpu.memory_space<vmem>>, vector<64x128xf32>
    %add3A_422 = arith.addf %add3A_418, %get3A_421 : vector<64x128xf32>
    %get3A_423 = arith.constant 0 : index
    %get3A_424 = arith.constant 13568 : index
    %get3A_425 = vector.load %arg0[%get3A_423, %get3A_424] : memref<64x32768xf32, #tpu.memory_space<vmem>>, vector<64x128xf32>
    %add3A_426 = arith.addf %add3A_422, %get3A_425 : vector<64x128xf32>
    %get3A_427 = arith.constant 0 : index
    %get3A_428 = arith.constant 13696 : index
    %get3A_429 = vector.load %arg0[%get3A_427, %get3A_428] : memref<64x32768xf32, #tpu.memory_space<vmem>>, vector<64x128xf32>
    %add3A_430 = arith.addf %add3A_426, %get3A_429 : vector<64x128xf32>
    %get3A_431 = arith.constant 0 : index
    %get3A_432 = arith.constant 13824 : index
    %get3A_433 = vector.load %arg0[%get3A_431, %get3A_432] : memref<64x32768xf32, #tpu.memory_space<vmem>>, vector<64x128xf32>
    %add3A_434 = arith.addf %add3A_430, %get3A_433 : vector<64x128xf32>
    %get3A_435 = arith.constant 0 : index
    %get3A_436 = arith.constant 13952 : index
    %get3A_437 = vector.load %arg0[%get3A_435, %get3A_436] : memref<64x32768xf32, #tpu.memory_space<vmem>>, vector<64x128xf32>
    %add3A_438 = arith.addf %add3A_434, %get3A_437 : vector<64x128xf32>
    %get3A_439 = arith.constant 0 : index
    %get3A_440 = arith.constant 14080 : index
    %get3A_441 = vector.load %arg0[%get3A_439, %get3A_440] : memref<64x32768xf32, #tpu.memory_space<vmem>>, vector<64x128xf32>
    %add3A_442 = arith.addf %add3A_438, %get3A_441 : vector<64x128xf32>
    %get3A_443 = arith.constant 0 : index
    %get3A_444 = arith.constant 14208 : index
    %get3A_445 = vector.load %arg0[%get3A_443, %get3A_444] : memref<64x32768xf32, #tpu.memory_space<vmem>>, vector<64x128xf32>
    %add3A_446 = arith.addf %add3A_442, %get3A_445 : vector<64x128xf32>
    %get3A_447 = arith.constant 0 : index
    %get3A_448 = arith.constant 14336 : index
    %get3A_449 = vector.load %arg0[%get3A_447, %get3A_448] : memref<64x32768xf32, #tpu.memory_space<vmem>>, vector<64x128xf32>
    %add3A_450 = arith.addf %add3A_446, %get3A_449 : vector<64x128xf32>
    %get3A_451 = arith.constant 0 : index
    %get3A_452 = arith.constant 14464 : index
    %get3A_453 = vector.load %arg0[%get3A_451, %get3A_452] : memref<64x32768xf32, #tpu.memory_space<vmem>>, vector<64x128xf32>
    %add3A_454 = arith.addf %add3A_450, %get3A_453 : vector<64x128xf32>
    %get3A_455 = arith.constant 0 : index
    %get3A_456 = arith.constant 14592 : index
    %get3A_457 = vector.load %arg0[%get3A_455, %get3A_456] : memref<64x32768xf32, #tpu.memory_space<vmem>>, vector<64x128xf32>
    %add3A_458 = arith.addf %add3A_454, %get3A_457 : vector<64x128xf32>
    %get3A_459 = arith.constant 0 : index
    %get3A_460 = arith.constant 14720 : index
    %get3A_461 = vector.load %arg0[%get3A_459, %get3A_460] : memref<64x32768xf32, #tpu.memory_space<vmem>>, vector<64x128xf32>
    %add3A_462 = arith.addf %add3A_458, %get3A_461 : vector<64x128xf32>
    %get3A_463 = arith.constant 0 : index
    %get3A_464 = arith.constant 14848 : index
    %get3A_465 = vector.load %arg0[%get3A_463, %get3A_464] : memref<64x32768xf32, #tpu.memory_space<vmem>>, vector<64x128xf32>
    %add3A_466 = arith.addf %add3A_462, %get3A_465 : vector<64x128xf32>
    %get3A_467 = arith.constant 0 : index
    %get3A_468 = arith.constant 14976 : index
    %get3A_469 = vector.load %arg0[%get3A_467, %get3A_468] : memref<64x32768xf32, #tpu.memory_space<vmem>>, vector<64x128xf32>
    %add3A_470 = arith.addf %add3A_466, %get3A_469 : vector<64x128xf32>
    %get3A_471 = arith.constant 0 : index
    %get3A_472 = arith.constant 15104 : index
    %get3A_473 = vector.load %arg0[%get3A_471, %get3A_472] : memref<64x32768xf32, #tpu.memory_space<vmem>>, vector<64x128xf32>
    %add3A_474 = arith.addf %add3A_470, %get3A_473 : vector<64x128xf32>
    %get3A_475 = arith.constant 0 : index
    %get3A_476 = arith.constant 15232 : index
    %get3A_477 = vector.load %arg0[%get3A_475, %get3A_476] : memref<64x32768xf32, #tpu.memory_space<vmem>>, vector<64x128xf32>
    %add3A_478 = arith.addf %add3A_474, %get3A_477 : vector<64x128xf32>
    %get3A_479 = arith.constant 0 : index
    %get3A_480 = arith.constant 15360 : index
    %get3A_481 = vector.load %arg0[%get3A_479, %get3A_480] : memref<64x32768xf32, #tpu.memory_space<vmem>>, vector<64x128xf32>
    %add3A_482 = arith.addf %add3A_478, %get3A_481 : vector<64x128xf32>
    %get3A_483 = arith.constant 0 : index
    %get3A_484 = arith.constant 15488 : index
    %get3A_485 = vector.load %arg0[%get3A_483, %get3A_484] : memref<64x32768xf32, #tpu.memory_space<vmem>>, vector<64x128xf32>
    %add3A_486 = arith.addf %add3A_482, %get3A_485 : vector<64x128xf32>
    %get3A_487 = arith.constant 0 : index
    %get3A_488 = arith.constant 15616 : index
    %get3A_489 = vector.load %arg0[%get3A_487, %get3A_488] : memref<64x32768xf32, #tpu.memory_space<vmem>>, vector<64x128xf32>
    %add3A_490 = arith.addf %add3A_486, %get3A_489 : vector<64x128xf32>
    %get3A_491 = arith.constant 0 : index
    %get3A_492 = arith.constant 15744 : index
    %get3A_493 = vector.load %arg0[%get3A_491, %get3A_492] : memref<64x32768xf32, #tpu.memory_space<vmem>>, vector<64x128xf32>
    %add3A_494 = arith.addf %add3A_490, %get3A_493 : vector<64x128xf32>
    %get3A_495 = arith.constant 0 : index
    %get3A_496 = arith.constant 15872 : index
    %get3A_497 = vector.load %arg0[%get3A_495, %get3A_496] : memref<64x32768xf32, #tpu.memory_space<vmem>>, vector<64x128xf32>
    %add3A_498 = arith.addf %add3A_494, %get3A_497 : vector<64x128xf32>
    %get3A_499 = arith.constant 0 : index
    %get3A_500 = arith.constant 16000 : index
    %get3A_501 = vector.load %arg0[%get3A_499, %get3A_500] : memref<64x32768xf32, #tpu.memory_space<vmem>>, vector<64x128xf32>
    %add3A_502 = arith.addf %add3A_498, %get3A_501 : vector<64x128xf32>
    %get3A_503 = arith.constant 0 : index
    %get3A_504 = arith.constant 16128 : index
    %get3A_505 = vector.load %arg0[%get3A_503, %get3A_504] : memref<64x32768xf32, #tpu.memory_space<vmem>>, vector<64x128xf32>
    %add3A_506 = arith.addf %add3A_502, %get3A_505 : vector<64x128xf32>
    %get3A_507 = arith.constant 0 : index
    %get3A_508 = arith.constant 16256 : index
    %get3A_509 = vector.load %arg0[%get3A_507, %get3A_508] : memref<64x32768xf32, #tpu.memory_space<vmem>>, vector<64x128xf32>
    %add3A_510 = arith.addf %add3A_506, %get3A_509 : vector<64x128xf32>
    %get3A_511 = arith.constant 0 : index
    %get3A_512 = arith.constant 16384 : index
    %get3A_513 = vector.load %arg0[%get3A_511, %get3A_512] : memref<64x32768xf32, #tpu.memory_space<vmem>>, vector<64x128xf32>
    %add3A_514 = arith.addf %add3A_510, %get3A_513 : vector<64x128xf32>
    %get3A_515 = arith.constant 0 : index
    %get3A_516 = arith.constant 16512 : index
    %get3A_517 = vector.load %arg0[%get3A_515, %get3A_516] : memref<64x32768xf32, #tpu.memory_space<vmem>>, vector<64x128xf32>
    %add3A_518 = arith.addf %add3A_514, %get3A_517 : vector<64x128xf32>
    %get3A_519 = arith.constant 0 : index
    %get3A_520 = arith.constant 16640 : index
    %get3A_521 = vector.load %arg0[%get3A_519, %get3A_520] : memref<64x32768xf32, #tpu.memory_space<vmem>>, vector<64x128xf32>
    %add3A_522 = arith.addf %add3A_518, %get3A_521 : vector<64x128xf32>
    %get3A_523 = arith.constant 0 : index
    %get3A_524 = arith.constant 16768 : index
    %get3A_525 = vector.load %arg0[%get3A_523, %get3A_524] : memref<64x32768xf32, #tpu.memory_space<vmem>>, vector<64x128xf32>
    %add3A_526 = arith.addf %add3A_522, %get3A_525 : vector<64x128xf32>
    %get3A_527 = arith.constant 0 : index
    %get3A_528 = arith.constant 16896 : index
    %get3A_529 = vector.load %arg0[%get3A_527, %get3A_528] : memref<64x32768xf32, #tpu.memory_space<vmem>>, vector<64x128xf32>
    %add3A_530 = arith.addf %add3A_526, %get3A_529 : vector<64x128xf32>
    %get3A_531 = arith.constant 0 : index
    %get3A_532 = arith.constant 17024 : index
    %get3A_533 = vector.load %arg0[%get3A_531, %get3A_532] : memref<64x32768xf32, #tpu.memory_space<vmem>>, vector<64x128xf32>
    %add3A_534 = arith.addf %add3A_530, %get3A_533 : vector<64x128xf32>
    %get3A_535 = arith.constant 0 : index
    %get3A_536 = arith.constant 17152 : index
    %get3A_537 = vector.load %arg0[%get3A_535, %get3A_536] : memref<64x32768xf32, #tpu.memory_space<vmem>>, vector<64x128xf32>
    %add3A_538 = arith.addf %add3A_534, %get3A_537 : vector<64x128xf32>
    %get3A_539 = arith.constant 0 : index
    %get3A_540 = arith.constant 17280 : index
    %get3A_541 = vector.load %arg0[%get3A_539, %get3A_540] : memref<64x32768xf32, #tpu.memory_space<vmem>>, vector<64x128xf32>
    %add3A_542 = arith.addf %add3A_538, %get3A_541 : vector<64x128xf32>
    %get3A_543 = arith.constant 0 : index
    %get3A_544 = arith.constant 17408 : index
    %get3A_545 = vector.load %arg0[%get3A_543, %get3A_544] : memref<64x32768xf32, #tpu.memory_space<vmem>>, vector<64x128xf32>
    %add3A_546 = arith.addf %add3A_542, %get3A_545 : vector<64x128xf32>
    %get3A_547 = arith.constant 0 : index
    %get3A_548 = arith.constant 17536 : index
    %get3A_549 = vector.load %arg0[%get3A_547, %get3A_548] : memref<64x32768xf32, #tpu.memory_space<vmem>>, vector<64x128xf32>
    %add3A_550 = arith.addf %add3A_546, %get3A_549 : vector<64x128xf32>
    %get3A_551 = arith.constant 0 : index
    %get3A_552 = arith.constant 17664 : index
    %get3A_553 = vector.load %arg0[%get3A_551, %get3A_552] : memref<64x32768xf32, #tpu.memory_space<vmem>>, vector<64x128xf32>
    %add3A_554 = arith.addf %add3A_550, %get3A_553 : vector<64x128xf32>
    %get3A_555 = arith.constant 0 : index
    %get3A_556 = arith.constant 17792 : index
    %get3A_557 = vector.load %arg0[%get3A_555, %get3A_556] : memref<64x32768xf32, #tpu.memory_space<vmem>>, vector<64x128xf32>
    %add3A_558 = arith.addf %add3A_554, %get3A_557 : vector<64x128xf32>
    %get3A_559 = arith.constant 0 : index
    %get3A_560 = arith.constant 17920 : index
    %get3A_561 = vector.load %arg0[%get3A_559, %get3A_560] : memref<64x32768xf32, #tpu.memory_space<vmem>>, vector<64x128xf32>
    %add3A_562 = arith.addf %add3A_558, %get3A_561 : vector<64x128xf32>
    %get3A_563 = arith.constant 0 : index
    %get3A_564 = arith.constant 18048 : index
    %get3A_565 = vector.load %arg0[%get3A_563, %get3A_564] : memref<64x32768xf32, #tpu.memory_space<vmem>>, vector<64x128xf32>
    %add3A_566 = arith.addf %add3A_562, %get3A_565 : vector<64x128xf32>
    %get3A_567 = arith.constant 0 : index
    %get3A_568 = arith.constant 18176 : index
    %get3A_569 = vector.load %arg0[%get3A_567, %get3A_568] : memref<64x32768xf32, #tpu.memory_space<vmem>>, vector<64x128xf32>
    %add3A_570 = arith.addf %add3A_566, %get3A_569 : vector<64x128xf32>
    %get3A_571 = arith.constant 0 : index
    %get3A_572 = arith.constant 18304 : index
    %get3A_573 = vector.load %arg0[%get3A_571, %get3A_572] : memref<64x32768xf32, #tpu.memory_space<vmem>>, vector<64x128xf32>
    %add3A_574 = arith.addf %add3A_570, %get3A_573 : vector<64x128xf32>
    %get3A_575 = arith.constant 0 : index
    %get3A_576 = arith.constant 18432 : index
    %get3A_577 = vector.load %arg0[%get3A_575, %get3A_576] : memref<64x32768xf32, #tpu.memory_space<vmem>>, vector<64x128xf32>
    %add3A_578 = arith.addf %add3A_574, %get3A_577 : vector<64x128xf32>
    %get3A_579 = arith.constant 0 : index
    %get3A_580 = arith.constant 18560 : index
    %get3A_581 = vector.load %arg0[%get3A_579, %get3A_580] : memref<64x32768xf32, #tpu.memory_space<vmem>>, vector<64x128xf32>
    %add3A_582 = arith.addf %add3A_578, %get3A_581 : vector<64x128xf32>
    %get3A_583 = arith.constant 0 : index
    %get3A_584 = arith.constant 18688 : index
    %get3A_585 = vector.load %arg0[%get3A_583, %get3A_584] : memref<64x32768xf32, #tpu.memory_space<vmem>>, vector<64x128xf32>
    %add3A_586 = arith.addf %add3A_582, %get3A_585 : vector<64x128xf32>
    %get3A_587 = arith.constant 0 : index
    %get3A_588 = arith.constant 18816 : index
    %get3A_589 = vector.load %arg0[%get3A_587, %get3A_588] : memref<64x32768xf32, #tpu.memory_space<vmem>>, vector<64x128xf32>
    %add3A_590 = arith.addf %add3A_586, %get3A_589 : vector<64x128xf32>
    %get3A_591 = arith.constant 0 : index
    %get3A_592 = arith.constant 18944 : index
    %get3A_593 = vector.load %arg0[%get3A_591, %get3A_592] : memref<64x32768xf32, #tpu.memory_space<vmem>>, vector<64x128xf32>
    %add3A_594 = arith.addf %add3A_590, %get3A_593 : vector<64x128xf32>
    %get3A_595 = arith.constant 0 : index
    %get3A_596 = arith.constant 19072 : index
    %get3A_597 = vector.load %arg0[%get3A_595, %get3A_596] : memref<64x32768xf32, #tpu.memory_space<vmem>>, vector<64x128xf32>
    %add3A_598 = arith.addf %add3A_594, %get3A_597 : vector<64x128xf32>
    %get3A_599 = arith.constant 0 : index
    %get3A_600 = arith.constant 19200 : index
    %get3A_601 = vector.load %arg0[%get3A_599, %get3A_600] : memref<64x32768xf32, #tpu.memory_space<vmem>>, vector<64x128xf32>
    %add3A_602 = arith.addf %add3A_598, %get3A_601 : vector<64x128xf32>
    %get3A_603 = arith.constant 0 : index
    %get3A_604 = arith.constant 19328 : index
    %get3A_605 = vector.load %arg0[%get3A_603, %get3A_604] : memref<64x32768xf32, #tpu.memory_space<vmem>>, vector<64x128xf32>
    %add3A_606 = arith.addf %add3A_602, %get3A_605 : vector<64x128xf32>
    %get3A_607 = arith.constant 0 : index
    %get3A_608 = arith.constant 19456 : index
    %get3A_609 = vector.load %arg0[%get3A_607, %get3A_608] : memref<64x32768xf32, #tpu.memory_space<vmem>>, vector<64x128xf32>
    %add3A_610 = arith.addf %add3A_606, %get3A_609 : vector<64x128xf32>
    %get3A_611 = arith.constant 0 : index
    %get3A_612 = arith.constant 19584 : index
    %get3A_613 = vector.load %arg0[%get3A_611, %get3A_612] : memref<64x32768xf32, #tpu.memory_space<vmem>>, vector<64x128xf32>
    %add3A_614 = arith.addf %add3A_610, %get3A_613 : vector<64x128xf32>
    %get3A_615 = arith.constant 0 : index
    %get3A_616 = arith.constant 19712 : index
    %get3A_617 = vector.load %arg0[%get3A_615, %get3A_616] : memref<64x32768xf32, #tpu.memory_space<vmem>>, vector<64x128xf32>
    %add3A_618 = arith.addf %add3A_614, %get3A_617 : vector<64x128xf32>
    %get3A_619 = arith.constant 0 : index
    %get3A_620 = arith.constant 19840 : index
    %get3A_621 = vector.load %arg0[%get3A_619, %get3A_620] : memref<64x32768xf32, #tpu.memory_space<vmem>>, vector<64x128xf32>
    %add3A_622 = arith.addf %add3A_618, %get3A_621 : vector<64x128xf32>
    %get3A_623 = arith.constant 0 : index
    %get3A_624 = arith.constant 19968 : index
    %get3A_625 = vector.load %arg0[%get3A_623, %get3A_624] : memref<64x32768xf32, #tpu.memory_space<vmem>>, vector<64x128xf32>
    %add3A_626 = arith.addf %add3A_622, %get3A_625 : vector<64x128xf32>
    %get3A_627 = arith.constant 0 : index
    %get3A_628 = arith.constant 20096 : index
    %get3A_629 = vector.load %arg0[%get3A_627, %get3A_628] : memref<64x32768xf32, #tpu.memory_space<vmem>>, vector<64x128xf32>
    %add3A_630 = arith.addf %add3A_626, %get3A_629 : vector<64x128xf32>
    %get3A_631 = arith.constant 0 : index
    %get3A_632 = arith.constant 20224 : index
    %get3A_633 = vector.load %arg0[%get3A_631, %get3A_632] : memref<64x32768xf32, #tpu.memory_space<vmem>>, vector<64x128xf32>
    %add3A_634 = arith.addf %add3A_630, %get3A_633 : vector<64x128xf32>
    %get3A_635 = arith.constant 0 : index
    %get3A_636 = arith.constant 20352 : index
    %get3A_637 = vector.load %arg0[%get3A_635, %get3A_636] : memref<64x32768xf32, #tpu.memory_space<vmem>>, vector<64x128xf32>
    %add3A_638 = arith.addf %add3A_634, %get3A_637 : vector<64x128xf32>
    %get3A_639 = arith.constant 0 : index
    %get3A_640 = arith.constant 20480 : index
    %get3A_641 = vector.load %arg0[%get3A_639, %get3A_640] : memref<64x32768xf32, #tpu.memory_space<vmem>>, vector<64x128xf32>
    %add3A_642 = arith.addf %add3A_638, %get3A_641 : vector<64x128xf32>
    %get3A_643 = arith.constant 0 : index
    %get3A_644 = arith.constant 20608 : index
    %get3A_645 = vector.load %arg0[%get3A_643, %get3A_644] : memref<64x32768xf32, #tpu.memory_space<vmem>>, vector<64x128xf32>
    %add3A_646 = arith.addf %add3A_642, %get3A_645 : vector<64x128xf32>
    %get3A_647 = arith.constant 0 : index
    %get3A_648 = arith.constant 20736 : index
    %get3A_649 = vector.load %arg0[%get3A_647, %get3A_648] : memref<64x32768xf32, #tpu.memory_space<vmem>>, vector<64x128xf32>
    %add3A_650 = arith.addf %add3A_646, %get3A_649 : vector<64x128xf32>
    %get3A_651 = arith.constant 0 : index
    %get3A_652 = arith.constant 20864 : index
    %get3A_653 = vector.load %arg0[%get3A_651, %get3A_652] : memref<64x32768xf32, #tpu.memory_space<vmem>>, vector<64x128xf32>
    %add3A_654 = arith.addf %add3A_650, %get3A_653 : vector<64x128xf32>
    %get3A_655 = arith.constant 0 : index
    %get3A_656 = arith.constant 20992 : index
    %get3A_657 = vector.load %arg0[%get3A_655, %get3A_656] : memref<64x32768xf32, #tpu.memory_space<vmem>>, vector<64x128xf32>
    %add3A_658 = arith.addf %add3A_654, %get3A_657 : vector<64x128xf32>
    %get3A_659 = arith.constant 0 : index
    %get3A_660 = arith.constant 21120 : index
    %get3A_661 = vector.load %arg0[%get3A_659, %get3A_660] : memref<64x32768xf32, #tpu.memory_space<vmem>>, vector<64x128xf32>
    %add3A_662 = arith.addf %add3A_658, %get3A_661 : vector<64x128xf32>
    %get3A_663 = arith.constant 0 : index
    %get3A_664 = arith.constant 21248 : index
    %get3A_665 = vector.load %arg0[%get3A_663, %get3A_664] : memref<64x32768xf32, #tpu.memory_space<vmem>>, vector<64x128xf32>
    %add3A_666 = arith.addf %add3A_662, %get3A_665 : vector<64x128xf32>
    %get3A_667 = arith.constant 0 : index
    %get3A_668 = arith.constant 21376 : index
    %get3A_669 = vector.load %arg0[%get3A_667, %get3A_668] : memref<64x32768xf32, #tpu.memory_space<vmem>>, vector<64x128xf32>
    %add3A_670 = arith.addf %add3A_666, %get3A_669 : vector<64x128xf32>
    %get3A_671 = arith.constant 0 : index
    %get3A_672 = arith.constant 21504 : index
    %get3A_673 = vector.load %arg0[%get3A_671, %get3A_672] : memref<64x32768xf32, #tpu.memory_space<vmem>>, vector<64x128xf32>
    %add3A_674 = arith.addf %add3A_670, %get3A_673 : vector<64x128xf32>
    %get3A_675 = arith.constant 0 : index
    %get3A_676 = arith.constant 21632 : index
    %get3A_677 = vector.load %arg0[%get3A_675, %get3A_676] : memref<64x32768xf32, #tpu.memory_space<vmem>>, vector<64x128xf32>
    %add3A_678 = arith.addf %add3A_674, %get3A_677 : vector<64x128xf32>
    %get3A_679 = arith.constant 0 : index
    %get3A_680 = arith.constant 21760 : index
    %get3A_681 = vector.load %arg0[%get3A_679, %get3A_680] : memref<64x32768xf32, #tpu.memory_space<vmem>>, vector<64x128xf32>
    %add3A_682 = arith.addf %add3A_678, %get3A_681 : vector<64x128xf32>
    %get3A_683 = arith.constant 0 : index
    %get3A_684 = arith.constant 21888 : index
    %get3A_685 = vector.load %arg0[%get3A_683, %get3A_684] : memref<64x32768xf32, #tpu.memory_space<vmem>>, vector<64x128xf32>
    %add3A_686 = arith.addf %add3A_682, %get3A_685 : vector<64x128xf32>
    %get3A_687 = arith.constant 0 : index
    %get3A_688 = arith.constant 22016 : index
    %get3A_689 = vector.load %arg0[%get3A_687, %get3A_688] : memref<64x32768xf32, #tpu.memory_space<vmem>>, vector<64x128xf32>
    %add3A_690 = arith.addf %add3A_686, %get3A_689 : vector<64x128xf32>
    %get3A_691 = arith.constant 0 : index
    %get3A_692 = arith.constant 22144 : index
    %get3A_693 = vector.load %arg0[%get3A_691, %get3A_692] : memref<64x32768xf32, #tpu.memory_space<vmem>>, vector<64x128xf32>
    %add3A_694 = arith.addf %add3A_690, %get3A_693 : vector<64x128xf32>
    %get3A_695 = arith.constant 0 : index
    %get3A_696 = arith.constant 22272 : index
    %get3A_697 = vector.load %arg0[%get3A_695, %get3A_696] : memref<64x32768xf32, #tpu.memory_space<vmem>>, vector<64x128xf32>
    %add3A_698 = arith.addf %add3A_694, %get3A_697 : vector<64x128xf32>
    %get3A_699 = arith.constant 0 : index
    %get3A_700 = arith.constant 22400 : index
    %get3A_701 = vector.load %arg0[%get3A_699, %get3A_700] : memref<64x32768xf32, #tpu.memory_space<vmem>>, vector<64x128xf32>
    %add3A_702 = arith.addf %add3A_698, %get3A_701 : vector<64x128xf32>
    %get3A_703 = arith.constant 0 : index
    %get3A_704 = arith.constant 22528 : index
    %get3A_705 = vector.load %arg0[%get3A_703, %get3A_704] : memref<64x32768xf32, #tpu.memory_space<vmem>>, vector<64x128xf32>
    %add3A_706 = arith.addf %add3A_702, %get3A_705 : vector<64x128xf32>
    %get3A_707 = arith.constant 0 : index
    %get3A_708 = arith.constant 22656 : index
    %get3A_709 = vector.load %arg0[%get3A_707, %get3A_708] : memref<64x32768xf32, #tpu.memory_space<vmem>>, vector<64x128xf32>
    %add3A_710 = arith.addf %add3A_706, %get3A_709 : vector<64x128xf32>
    %get3A_711 = arith.constant 0 : index
    %get3A_712 = arith.constant 22784 : index
    %get3A_713 = vector.load %arg0[%get3A_711, %get3A_712] : memref<64x32768xf32, #tpu.memory_space<vmem>>, vector<64x128xf32>
    %add3A_714 = arith.addf %add3A_710, %get3A_713 : vector<64x128xf32>
    %get3A_715 = arith.constant 0 : index
    %get3A_716 = arith.constant 22912 : index
    %get3A_717 = vector.load %arg0[%get3A_715, %get3A_716] : memref<64x32768xf32, #tpu.memory_space<vmem>>, vector<64x128xf32>
    %add3A_718 = arith.addf %add3A_714, %get3A_717 : vector<64x128xf32>
    %get3A_719 = arith.constant 0 : index
    %get3A_720 = arith.constant 23040 : index
    %get3A_721 = vector.load %arg0[%get3A_719, %get3A_720] : memref<64x32768xf32, #tpu.memory_space<vmem>>, vector<64x128xf32>
    %add3A_722 = arith.addf %add3A_718, %get3A_721 : vector<64x128xf32>
    %get3A_723 = arith.constant 0 : index
    %get3A_724 = arith.constant 23168 : index
    %get3A_725 = vector.load %arg0[%get3A_723, %get3A_724] : memref<64x32768xf32, #tpu.memory_space<vmem>>, vector<64x128xf32>
    %add3A_726 = arith.addf %add3A_722, %get3A_725 : vector<64x128xf32>
    %get3A_727 = arith.constant 0 : index
    %get3A_728 = arith.constant 23296 : index
    %get3A_729 = vector.load %arg0[%get3A_727, %get3A_728] : memref<64x32768xf32, #tpu.memory_space<vmem>>, vector<64x128xf32>
    %add3A_730 = arith.addf %add3A_726, %get3A_729 : vector<64x128xf32>
    %get3A_731 = arith.constant 0 : index
    %get3A_732 = arith.constant 23424 : index
    %get3A_733 = vector.load %arg0[%get3A_731, %get3A_732] : memref<64x32768xf32, #tpu.memory_space<vmem>>, vector<64x128xf32>
    %add3A_734 = arith.addf %add3A_730, %get3A_733 : vector<64x128xf32>
    %get3A_735 = arith.constant 0 : index
    %get3A_736 = arith.constant 23552 : index
    %get3A_737 = vector.load %arg0[%get3A_735, %get3A_736] : memref<64x32768xf32, #tpu.memory_space<vmem>>, vector<64x128xf32>
    %add3A_738 = arith.addf %add3A_734, %get3A_737 : vector<64x128xf32>
    %get3A_739 = arith.constant 0 : index
    %get3A_740 = arith.constant 23680 : index
    %get3A_741 = vector.load %arg0[%get3A_739, %get3A_740] : memref<64x32768xf32, #tpu.memory_space<vmem>>, vector<64x128xf32>
    %add3A_742 = arith.addf %add3A_738, %get3A_741 : vector<64x128xf32>
    %get3A_743 = arith.constant 0 : index
    %get3A_744 = arith.constant 23808 : index
    %get3A_745 = vector.load %arg0[%get3A_743, %get3A_744] : memref<64x32768xf32, #tpu.memory_space<vmem>>, vector<64x128xf32>
    %add3A_746 = arith.addf %add3A_742, %get3A_745 : vector<64x128xf32>
    %get3A_747 = arith.constant 0 : index
    %get3A_748 = arith.constant 23936 : index
    %get3A_749 = vector.load %arg0[%get3A_747, %get3A_748] : memref<64x32768xf32, #tpu.memory_space<vmem>>, vector<64x128xf32>
    %add3A_750 = arith.addf %add3A_746, %get3A_749 : vector<64x128xf32>
    %get3A_751 = arith.constant 0 : index
    %get3A_752 = arith.constant 24064 : index
    %get3A_753 = vector.load %arg0[%get3A_751, %get3A_752] : memref<64x32768xf32, #tpu.memory_space<vmem>>, vector<64x128xf32>
    %add3A_754 = arith.addf %add3A_750, %get3A_753 : vector<64x128xf32>
    %get3A_755 = arith.constant 0 : index
    %get3A_756 = arith.constant 24192 : index
    %get3A_757 = vector.load %arg0[%get3A_755, %get3A_756] : memref<64x32768xf32, #tpu.memory_space<vmem>>, vector<64x128xf32>
    %add3A_758 = arith.addf %add3A_754, %get3A_757 : vector<64x128xf32>
    %get3A_759 = arith.constant 0 : index
    %get3A_760 = arith.constant 24320 : index
    %get3A_761 = vector.load %arg0[%get3A_759, %get3A_760] : memref<64x32768xf32, #tpu.memory_space<vmem>>, vector<64x128xf32>
    %add3A_762 = arith.addf %add3A_758, %get3A_761 : vector<64x128xf32>
    %get3A_763 = arith.constant 0 : index
    %get3A_764 = arith.constant 24448 : index
    %get3A_765 = vector.load %arg0[%get3A_763, %get3A_764] : memref<64x32768xf32, #tpu.memory_space<vmem>>, vector<64x128xf32>
    %add3A_766 = arith.addf %add3A_762, %get3A_765 : vector<64x128xf32>
    %get3A_767 = arith.constant 0 : index
    %get3A_768 = arith.constant 24576 : index
    %get3A_769 = vector.load %arg0[%get3A_767, %get3A_768] : memref<64x32768xf32, #tpu.memory_space<vmem>>, vector<64x128xf32>
    %add3A_770 = arith.addf %add3A_766, %get3A_769 : vector<64x128xf32>
    %get3A_771 = arith.constant 0 : index
    %get3A_772 = arith.constant 24704 : index
    %get3A_773 = vector.load %arg0[%get3A_771, %get3A_772] : memref<64x32768xf32, #tpu.memory_space<vmem>>, vector<64x128xf32>
    %add3A_774 = arith.addf %add3A_770, %get3A_773 : vector<64x128xf32>
    %get3A_775 = arith.constant 0 : index
    %get3A_776 = arith.constant 24832 : index
    %get3A_777 = vector.load %arg0[%get3A_775, %get3A_776] : memref<64x32768xf32, #tpu.memory_space<vmem>>, vector<64x128xf32>
    %add3A_778 = arith.addf %add3A_774, %get3A_777 : vector<64x128xf32>
    %get3A_779 = arith.constant 0 : index
    %get3A_780 = arith.constant 24960 : index
    %get3A_781 = vector.load %arg0[%get3A_779, %get3A_780] : memref<64x32768xf32, #tpu.memory_space<vmem>>, vector<64x128xf32>
    %add3A_782 = arith.addf %add3A_778, %get3A_781 : vector<64x128xf32>
    %get3A_783 = arith.constant 0 : index
    %get3A_784 = arith.constant 25088 : index
    %get3A_785 = vector.load %arg0[%get3A_783, %get3A_784] : memref<64x32768xf32, #tpu.memory_space<vmem>>, vector<64x128xf32>
    %add3A_786 = arith.addf %add3A_782, %get3A_785 : vector<64x128xf32>
    %get3A_787 = arith.constant 0 : index
    %get3A_788 = arith.constant 25216 : index
    %get3A_789 = vector.load %arg0[%get3A_787, %get3A_788] : memref<64x32768xf32, #tpu.memory_space<vmem>>, vector<64x128xf32>
    %add3A_790 = arith.addf %add3A_786, %get3A_789 : vector<64x128xf32>
    %get3A_791 = arith.constant 0 : index
    %get3A_792 = arith.constant 25344 : index
    %get3A_793 = vector.load %arg0[%get3A_791, %get3A_792] : memref<64x32768xf32, #tpu.memory_space<vmem>>, vector<64x128xf32>
    %add3A_794 = arith.addf %add3A_790, %get3A_793 : vector<64x128xf32>
    %get3A_795 = arith.constant 0 : index
    %get3A_796 = arith.constant 25472 : index
    %get3A_797 = vector.load %arg0[%get3A_795, %get3A_796] : memref<64x32768xf32, #tpu.memory_space<vmem>>, vector<64x128xf32>
    %add3A_798 = arith.addf %add3A_794, %get3A_797 : vector<64x128xf32>
    %get3A_799 = arith.constant 0 : index
    %get3A_800 = arith.constant 25600 : index
    %get3A_801 = vector.load %arg0[%get3A_799, %get3A_800] : memref<64x32768xf32, #tpu.memory_space<vmem>>, vector<64x128xf32>
    %add3A_802 = arith.addf %add3A_798, %get3A_801 : vector<64x128xf32>
    %get3A_803 = arith.constant 0 : index
    %get3A_804 = arith.constant 25728 : index
    %get3A_805 = vector.load %arg0[%get3A_803, %get3A_804] : memref<64x32768xf32, #tpu.memory_space<vmem>>, vector<64x128xf32>
    %add3A_806 = arith.addf %add3A_802, %get3A_805 : vector<64x128xf32>
    %get3A_807 = arith.constant 0 : index
    %get3A_808 = arith.constant 25856 : index
    %get3A_809 = vector.load %arg0[%get3A_807, %get3A_808] : memref<64x32768xf32, #tpu.memory_space<vmem>>, vector<64x128xf32>
    %add3A_810 = arith.addf %add3A_806, %get3A_809 : vector<64x128xf32>
    %get3A_811 = arith.constant 0 : index
    %get3A_812 = arith.constant 25984 : index
    %get3A_813 = vector.load %arg0[%get3A_811, %get3A_812] : memref<64x32768xf32, #tpu.memory_space<vmem>>, vector<64x128xf32>
    %add3A_814 = arith.addf %add3A_810, %get3A_813 : vector<64x128xf32>
    %get3A_815 = arith.constant 0 : index
    %get3A_816 = arith.constant 26112 : index
    %get3A_817 = vector.load %arg0[%get3A_815, %get3A_816] : memref<64x32768xf32, #tpu.memory_space<vmem>>, vector<64x128xf32>
    %add3A_818 = arith.addf %add3A_814, %get3A_817 : vector<64x128xf32>
    %get3A_819 = arith.constant 0 : index
    %get3A_820 = arith.constant 26240 : index
    %get3A_821 = vector.load %arg0[%get3A_819, %get3A_820] : memref<64x32768xf32, #tpu.memory_space<vmem>>, vector<64x128xf32>
    %add3A_822 = arith.addf %add3A_818, %get3A_821 : vector<64x128xf32>
    %get3A_823 = arith.constant 0 : index
    %get3A_824 = arith.constant 26368 : index
    %get3A_825 = vector.load %arg0[%get3A_823, %get3A_824] : memref<64x32768xf32, #tpu.memory_space<vmem>>, vector<64x128xf32>
    %add3A_826 = arith.addf %add3A_822, %get3A_825 : vector<64x128xf32>
    %get3A_827 = arith.constant 0 : index
    %get3A_828 = arith.constant 26496 : index
    %get3A_829 = vector.load %arg0[%get3A_827, %get3A_828] : memref<64x32768xf32, #tpu.memory_space<vmem>>, vector<64x128xf32>
    %add3A_830 = arith.addf %add3A_826, %get3A_829 : vector<64x128xf32>
    %get3A_831 = arith.constant 0 : index
    %get3A_832 = arith.constant 26624 : index
    %get3A_833 = vector.load %arg0[%get3A_831, %get3A_832] : memref<64x32768xf32, #tpu.memory_space<vmem>>, vector<64x128xf32>
    %add3A_834 = arith.addf %add3A_830, %get3A_833 : vector<64x128xf32>
    %get3A_835 = arith.constant 0 : index
    %get3A_836 = arith.constant 26752 : index
    %get3A_837 = vector.load %arg0[%get3A_835, %get3A_836] : memref<64x32768xf32, #tpu.memory_space<vmem>>, vector<64x128xf32>
    %add3A_838 = arith.addf %add3A_834, %get3A_837 : vector<64x128xf32>
    %get3A_839 = arith.constant 0 : index
    %get3A_840 = arith.constant 26880 : index
    %get3A_841 = vector.load %arg0[%get3A_839, %get3A_840] : memref<64x32768xf32, #tpu.memory_space<vmem>>, vector<64x128xf32>
    %add3A_842 = arith.addf %add3A_838, %get3A_841 : vector<64x128xf32>
    %get3A_843 = arith.constant 0 : index
    %get3A_844 = arith.constant 27008 : index
    %get3A_845 = vector.load %arg0[%get3A_843, %get3A_844] : memref<64x32768xf32, #tpu.memory_space<vmem>>, vector<64x128xf32>
    %add3A_846 = arith.addf %add3A_842, %get3A_845 : vector<64x128xf32>
    %get3A_847 = arith.constant 0 : index
    %get3A_848 = arith.constant 27136 : index
    %get3A_849 = vector.load %arg0[%get3A_847, %get3A_848] : memref<64x32768xf32, #tpu.memory_space<vmem>>, vector<64x128xf32>
    %add3A_850 = arith.addf %add3A_846, %get3A_849 : vector<64x128xf32>
    %get3A_851 = arith.constant 0 : index
    %get3A_852 = arith.constant 27264 : index
    %get3A_853 = vector.load %arg0[%get3A_851, %get3A_852] : memref<64x32768xf32, #tpu.memory_space<vmem>>, vector<64x128xf32>
    %add3A_854 = arith.addf %add3A_850, %get3A_853 : vector<64x128xf32>
    %get3A_855 = arith.constant 0 : index
    %get3A_856 = arith.constant 27392 : index
    %get3A_857 = vector.load %arg0[%get3A_855, %get3A_856] : memref<64x32768xf32, #tpu.memory_space<vmem>>, vector<64x128xf32>
    %add3A_858 = arith.addf %add3A_854, %get3A_857 : vector<64x128xf32>
    %get3A_859 = arith.constant 0 : index
    %get3A_860 = arith.constant 27520 : index
    %get3A_861 = vector.load %arg0[%get3A_859, %get3A_860] : memref<64x32768xf32, #tpu.memory_space<vmem>>, vector<64x128xf32>
    %add3A_862 = arith.addf %add3A_858, %get3A_861 : vector<64x128xf32>
    %get3A_863 = arith.constant 0 : index
    %get3A_864 = arith.constant 27648 : index
    %get3A_865 = vector.load %arg0[%get3A_863, %get3A_864] : memref<64x32768xf32, #tpu.memory_space<vmem>>, vector<64x128xf32>
    %add3A_866 = arith.addf %add3A_862, %get3A_865 : vector<64x128xf32>
    %get3A_867 = arith.constant 0 : index
    %get3A_868 = arith.constant 27776 : index
    %get3A_869 = vector.load %arg0[%get3A_867, %get3A_868] : memref<64x32768xf32, #tpu.memory_space<vmem>>, vector<64x128xf32>
    %add3A_870 = arith.addf %add3A_866, %get3A_869 : vector<64x128xf32>
    %get3A_871 = arith.constant 0 : index
    %get3A_872 = arith.constant 27904 : index
    %get3A_873 = vector.load %arg0[%get3A_871, %get3A_872] : memref<64x32768xf32, #tpu.memory_space<vmem>>, vector<64x128xf32>
    %add3A_874 = arith.addf %add3A_870, %get3A_873 : vector<64x128xf32>
    %get3A_875 = arith.constant 0 : index
    %get3A_876 = arith.constant 28032 : index
    %get3A_877 = vector.load %arg0[%get3A_875, %get3A_876] : memref<64x32768xf32, #tpu.memory_space<vmem>>, vector<64x128xf32>
    %add3A_878 = arith.addf %add3A_874, %get3A_877 : vector<64x128xf32>
    %get3A_879 = arith.constant 0 : index
    %get3A_880 = arith.constant 28160 : index
    %get3A_881 = vector.load %arg0[%get3A_879, %get3A_880] : memref<64x32768xf32, #tpu.memory_space<vmem>>, vector<64x128xf32>
    %add3A_882 = arith.addf %add3A_878, %get3A_881 : vector<64x128xf32>
    %get3A_883 = arith.constant 0 : index
    %get3A_884 = arith.constant 28288 : index
    %get3A_885 = vector.load %arg0[%get3A_883, %get3A_884] : memref<64x32768xf32, #tpu.memory_space<vmem>>, vector<64x128xf32>
    %add3A_886 = arith.addf %add3A_882, %get3A_885 : vector<64x128xf32>
    %get3A_887 = arith.constant 0 : index
    %get3A_888 = arith.constant 28416 : index
    %get3A_889 = vector.load %arg0[%get3A_887, %get3A_888] : memref<64x32768xf32, #tpu.memory_space<vmem>>, vector<64x128xf32>
    %add3A_890 = arith.addf %add3A_886, %get3A_889 : vector<64x128xf32>
    %get3A_891 = arith.constant 0 : index
    %get3A_892 = arith.constant 28544 : index
    %get3A_893 = vector.load %arg0[%get3A_891, %get3A_892] : memref<64x32768xf32, #tpu.memory_space<vmem>>, vector<64x128xf32>
    %add3A_894 = arith.addf %add3A_890, %get3A_893 : vector<64x128xf32>
    %get3A_895 = arith.constant 0 : index
    %get3A_896 = arith.constant 28672 : index
    %get3A_897 = vector.load %arg0[%get3A_895, %get3A_896] : memref<64x32768xf32, #tpu.memory_space<vmem>>, vector<64x128xf32>
    %add3A_898 = arith.addf %add3A_894, %get3A_897 : vector<64x128xf32>
    %get3A_899 = arith.constant 0 : index
    %get3A_900 = arith.constant 28800 : index
    %get3A_901 = vector.load %arg0[%get3A_899, %get3A_900] : memref<64x32768xf32, #tpu.memory_space<vmem>>, vector<64x128xf32>
    %add3A_902 = arith.addf %add3A_898, %get3A_901 : vector<64x128xf32>
    %get3A_903 = arith.constant 0 : index
    %get3A_904 = arith.constant 28928 : index
    %get3A_905 = vector.load %arg0[%get3A_903, %get3A_904] : memref<64x32768xf32, #tpu.memory_space<vmem>>, vector<64x128xf32>
    %add3A_906 = arith.addf %add3A_902, %get3A_905 : vector<64x128xf32>
    %get3A_907 = arith.constant 0 : index
    %get3A_908 = arith.constant 29056 : index
    %get3A_909 = vector.load %arg0[%get3A_907, %get3A_908] : memref<64x32768xf32, #tpu.memory_space<vmem>>, vector<64x128xf32>
    %add3A_910 = arith.addf %add3A_906, %get3A_909 : vector<64x128xf32>
    %get3A_911 = arith.constant 0 : index
    %get3A_912 = arith.constant 29184 : index
    %get3A_913 = vector.load %arg0[%get3A_911, %get3A_912] : memref<64x32768xf32, #tpu.memory_space<vmem>>, vector<64x128xf32>
    %add3A_914 = arith.addf %add3A_910, %get3A_913 : vector<64x128xf32>
    %get3A_915 = arith.constant 0 : index
    %get3A_916 = arith.constant 29312 : index
    %get3A_917 = vector.load %arg0[%get3A_915, %get3A_916] : memref<64x32768xf32, #tpu.memory_space<vmem>>, vector<64x128xf32>
    %add3A_918 = arith.addf %add3A_914, %get3A_917 : vector<64x128xf32>
    %get3A_919 = arith.constant 0 : index
    %get3A_920 = arith.constant 29440 : index
    %get3A_921 = vector.load %arg0[%get3A_919, %get3A_920] : memref<64x32768xf32, #tpu.memory_space<vmem>>, vector<64x128xf32>
    %add3A_922 = arith.addf %add3A_918, %get3A_921 : vector<64x128xf32>
    %get3A_923 = arith.constant 0 : index
    %get3A_924 = arith.constant 29568 : index
    %get3A_925 = vector.load %arg0[%get3A_923, %get3A_924] : memref<64x32768xf32, #tpu.memory_space<vmem>>, vector<64x128xf32>
    %add3A_926 = arith.addf %add3A_922, %get3A_925 : vector<64x128xf32>
    %get3A_927 = arith.constant 0 : index
    %get3A_928 = arith.constant 29696 : index
    %get3A_929 = vector.load %arg0[%get3A_927, %get3A_928] : memref<64x32768xf32, #tpu.memory_space<vmem>>, vector<64x128xf32>
    %add3A_930 = arith.addf %add3A_926, %get3A_929 : vector<64x128xf32>
    %get3A_931 = arith.constant 0 : index
    %get3A_932 = arith.constant 29824 : index
    %get3A_933 = vector.load %arg0[%get3A_931, %get3A_932] : memref<64x32768xf32, #tpu.memory_space<vmem>>, vector<64x128xf32>
    %add3A_934 = arith.addf %add3A_930, %get3A_933 : vector<64x128xf32>
    %get3A_935 = arith.constant 0 : index
    %get3A_936 = arith.constant 29952 : index
    %get3A_937 = vector.load %arg0[%get3A_935, %get3A_936] : memref<64x32768xf32, #tpu.memory_space<vmem>>, vector<64x128xf32>
    %add3A_938 = arith.addf %add3A_934, %get3A_937 : vector<64x128xf32>
    %get3A_939 = arith.constant 0 : index
    %get3A_940 = arith.constant 30080 : index
    %get3A_941 = vector.load %arg0[%get3A_939, %get3A_940] : memref<64x32768xf32, #tpu.memory_space<vmem>>, vector<64x128xf32>
    %add3A_942 = arith.addf %add3A_938, %get3A_941 : vector<64x128xf32>
    %get3A_943 = arith.constant 0 : index
    %get3A_944 = arith.constant 30208 : index
    %get3A_945 = vector.load %arg0[%get3A_943, %get3A_944] : memref<64x32768xf32, #tpu.memory_space<vmem>>, vector<64x128xf32>
    %add3A_946 = arith.addf %add3A_942, %get3A_945 : vector<64x128xf32>
    %get3A_947 = arith.constant 0 : index
    %get3A_948 = arith.constant 30336 : index
    %get3A_949 = vector.load %arg0[%get3A_947, %get3A_948] : memref<64x32768xf32, #tpu.memory_space<vmem>>, vector<64x128xf32>
    %add3A_950 = arith.addf %add3A_946, %get3A_949 : vector<64x128xf32>
    %get3A_951 = arith.constant 0 : index
    %get3A_952 = arith.constant 30464 : index
    %get3A_953 = vector.load %arg0[%get3A_951, %get3A_952] : memref<64x32768xf32, #tpu.memory_space<vmem>>, vector<64x128xf32>
    %add3A_954 = arith.addf %add3A_950, %get3A_953 : vector<64x128xf32>
    %get3A_955 = arith.constant 0 : index
    %get3A_956 = arith.constant 30592 : index
    %get3A_957 = vector.load %arg0[%get3A_955, %get3A_956] : memref<64x32768xf32, #tpu.memory_space<vmem>>, vector<64x128xf32>
    %add3A_958 = arith.addf %add3A_954, %get3A_957 : vector<64x128xf32>
    %get3A_959 = arith.constant 0 : index
    %get3A_960 = arith.constant 30720 : index
    %get3A_961 = vector.load %arg0[%get3A_959, %get3A_960] : memref<64x32768xf32, #tpu.memory_space<vmem>>, vector<64x128xf32>
    %add3A_962 = arith.addf %add3A_958, %get3A_961 : vector<64x128xf32>
    %get3A_963 = arith.constant 0 : index
    %get3A_964 = arith.constant 30848 : index
    %get3A_965 = vector.load %arg0[%get3A_963, %get3A_964] : memref<64x32768xf32, #tpu.memory_space<vmem>>, vector<64x128xf32>
    %add3A_966 = arith.addf %add3A_962, %get3A_965 : vector<64x128xf32>
    %get3A_967 = arith.constant 0 : index
    %get3A_968 = arith.constant 30976 : index
    %get3A_969 = vector.load %arg0[%get3A_967, %get3A_968] : memref<64x32768xf32, #tpu.memory_space<vmem>>, vector<64x128xf32>
    %add3A_970 = arith.addf %add3A_966, %get3A_969 : vector<64x128xf32>
    %get3A_971 = arith.constant 0 : index
    %get3A_972 = arith.constant 31104 : index
    %get3A_973 = vector.load %arg0[%get3A_971, %get3A_972] : memref<64x32768xf32, #tpu.memory_space<vmem>>, vector<64x128xf32>
    %add3A_974 = arith.addf %add3A_970, %get3A_973 : vector<64x128xf32>
    %get3A_975 = arith.constant 0 : index
    %get3A_976 = arith.constant 31232 : index
    %get3A_977 = vector.load %arg0[%get3A_975, %get3A_976] : memref<64x32768xf32, #tpu.memory_space<vmem>>, vector<64x128xf32>
    %add3A_978 = arith.addf %add3A_974, %get3A_977 : vector<64x128xf32>
    %get3A_979 = arith.constant 0 : index
    %get3A_980 = arith.constant 31360 : index
    %get3A_981 = vector.load %arg0[%get3A_979, %get3A_980] : memref<64x32768xf32, #tpu.memory_space<vmem>>, vector<64x128xf32>
    %add3A_982 = arith.addf %add3A_978, %get3A_981 : vector<64x128xf32>
    %get3A_983 = arith.constant 0 : index
    %get3A_984 = arith.constant 31488 : index
    %get3A_985 = vector.load %arg0[%get3A_983, %get3A_984] : memref<64x32768xf32, #tpu.memory_space<vmem>>, vector<64x128xf32>
    %add3A_986 = arith.addf %add3A_982, %get3A_985 : vector<64x128xf32>
    %get3A_987 = arith.constant 0 : index
    %get3A_988 = arith.constant 31616 : index
    %get3A_989 = vector.load %arg0[%get3A_987, %get3A_988] : memref<64x32768xf32, #tpu.memory_space<vmem>>, vector<64x128xf32>
    %add3A_990 = arith.addf %add3A_986, %get3A_989 : vector<64x128xf32>
    %get3A_991 = arith.constant 0 : index
    %get3A_992 = arith.constant 31744 : index
    %get3A_993 = vector.load %arg0[%get3A_991, %get3A_992] : memref<64x32768xf32, #tpu.memory_space<vmem>>, vector<64x128xf32>
    %add3A_994 = arith.addf %add3A_990, %get3A_993 : vector<64x128xf32>
    %get3A_995 = arith.constant 0 : index
    %get3A_996 = arith.constant 31872 : index
    %get3A_997 = vector.load %arg0[%get3A_995, %get3A_996] : memref<64x32768xf32, #tpu.memory_space<vmem>>, vector<64x128xf32>
    %add3A_998 = arith.addf %add3A_994, %get3A_997 : vector<64x128xf32>
    %get3A_999 = arith.constant 0 : index
    %get3A_1000 = arith.constant 32000 : index
    %get3A_1001 = vector.load %arg0[%get3A_999, %get3A_1000] : memref<64x32768xf32, #tpu.memory_space<vmem>>, vector<64x128xf32>
    %add3A_1002 = arith.addf %add3A_998, %get3A_1001 : vector<64x128xf32>
    %get3A_1003 = arith.constant 0 : index
    %get3A_1004 = arith.constant 32128 : index
    %get3A_1005 = vector.load %arg0[%get3A_1003, %get3A_1004] : memref<64x32768xf32, #tpu.memory_space<vmem>>, vector<64x128xf32>
    %add3A_1006 = arith.addf %add3A_1002, %get3A_1005 : vector<64x128xf32>
    %get3A_1007 = arith.constant 0 : index
    %get3A_1008 = arith.constant 32256 : index
    %get3A_1009 = vector.load %arg0[%get3A_1007, %get3A_1008] : memref<64x32768xf32, #tpu.memory_space<vmem>>, vector<64x128xf32>
    %add3A_1010 = arith.addf %add3A_1006, %get3A_1009 : vector<64x128xf32>
    %get3A_1011 = arith.constant 0 : index
    %get3A_1012 = arith.constant 32384 : index
    %get3A_1013 = vector.load %arg0[%get3A_1011, %get3A_1012] : memref<64x32768xf32, #tpu.memory_space<vmem>>, vector<64x128xf32>
    %add3A_1014 = arith.addf %add3A_1010, %get3A_1013 : vector<64x128xf32>
    %get3A_1015 = arith.constant 0 : index
    %get3A_1016 = arith.constant 32512 : index
    %get3A_1017 = vector.load %arg0[%get3A_1015, %get3A_1016] : memref<64x32768xf32, #tpu.memory_space<vmem>>, vector<64x128xf32>
    %add3A_1018 = arith.addf %add3A_1014, %get3A_1017 : vector<64x128xf32>
    %get3A_1019 = arith.constant 0 : index
    %get3A_1020 = arith.constant 32640 : index
    %get3A_1021 = vector.load %arg0[%get3A_1019, %get3A_1020] : memref<64x32768xf32, #tpu.memory_space<vmem>>, vector<64x128xf32>
    %add3A_1022 = arith.addf %add3A_1018, %get3A_1021 : vector<64x128xf32>
    %reduce_sum3A = arith.constant dense<0.000000e+00> : vector<64xf32>
    %reduce_sum3A_1023 = vector.multi_reduction <add>, %add3A_1022, %reduce_sum3A [1] : vector<64x128xf32> to vector<64xf32>
    %broadcast_in_dim3A_1024 = vector.shape_cast %reduce_sum3A_1023 : vector<64xf32> to vector<64x1xf32>
    %transpose3A = tpu.transpose %broadcast_in_dim3A_1024, [1, 0] : vector<64x1xf32> -> vector<1x64xf32>
    %swap3A = arith.constant 0 : index
    %swap3A_1025 = arith.constant 0 : index
    %swap3A_1026 = vector.load %arg1[%swap3A, %swap3A_1025] : memref<1x64xf32, #tpu.memory_space<vmem>>, vector<1x64xf32>
    tpu.vector_store %arg1[%swap3A, %swap3A_1025], %transpose3A {strides = array<i32>} : memref<1x64xf32, #tpu.memory_space<vmem>>, vector<1x64xf32>,
    return
  }
}

</mosaic_0001>

<sc_bundles>
// kernel: kernel.4.cloned.1.call-start
scs
__scs_entry_jumppad:
0x0: {  	(pc) =	sbr.rel $0x88, $3  }
0x1: {  	(tag) =	ssettag $0x0;
	lr =	simm.s32 $0x1  }
0x2: {  	[smem:$0x3F9F] =	sst lr;
	_ =	strace $0xD0000000  }
0x3: {  	_ = 	snop  }
0x4: {  	_ = 	snop  }
0x5: {  	_ = 	snop  }
0x6: {  	_ = 	snop  }
0x7: {  	_ = 	snop  }
__scs_overlays_trampoline_lowered:
0x8: {  	[smem:$0x3FAE] =	sst s0  }
0x9: {  	[smem:$0x3FAF] =	sst s1  }
0xa: {  	[smem:$0x3FB0] =	sst s2  }
0xb: {  	[smem:$0x3FB1] =	sst s3  }
0xc: {  	[smem:$0x3FB2] =	sst s4  }
0xd: {  	[smem:$0x3FB3] =	sst s5  }
0xe: {  	[smem:$0x3FB4] =	sst s6  }
0xf: {  	[smem:$0x3FB5] =	sst s7  }
0x10: {  	[smem:$0x3FB6] =	sst s8  }
0x11: {  	[smem:$0x3FB7] =	sst s9;
	s0 =	simm.s32 @!p0 $0x0  }
0x12: {  	s1 =	sld [smem:$0x3F9D];
	s0 =	simm.s32 @p0 $0x1  }
0x13: {  	[smem:$0x3FB8] =	sst s0;
	s0 =	simm.s32 @!p1 $0x0  }
0x14: {  	s2 =	sld [smem:$0x3F9C];
	s0 =	simm.s32 @p1 $0x1  }
0x15: {  	[smem:$0x3FB9] =	sst s0;
	s0 =	simm.s32 @!p2 $0x0  }
0x16: {  	s3 =	sld [smem:$0x3FDB];
	s0 =	simm.s32 @p2 $0x1  }
0x17: {  	s4 =	simm.s32 $0x1BF5;
	[smem:$0x3FBB] =	sst s0  }
0x18: {  	s0 =	sld [smem:$0x3F9E];
	_ =	swait.ge [sflag:s4], $0x0  }
0x19: {  	s7 =	sld [smem:$0x3F9F]  }
0x1a: {  	s8 =	sadd.s32 $0xFFFFE003, lr  }
0x1b: {  	s9 =	sadd.s32 $0xFFFFFEF7, lr;
	s5 =	simm.s32 $0xFFFFFFFF;
	p2 =	slt.u32 s8, $0xFFFFF086  }
0x1c: {  	p1 =	slt.u32 s9, $0xF7A;
	s5 =	simm.s32 @!p2 $0x0  }
0x1d: {  	s5 =	simm.s32 @p1 $0x1;
	p0 =	seq.s32 s7, s2  }
0x1e: {  	s7 =	smul.u32 @!p0 $0xF7A, s2;
	p2 =	seq.s32 @!p0 s5, $0x0  }
0x1f: {  	s9 =	smul.u32 $0xF7A, s1;
	s8 =	simm.s32 @!p0 $0x1BF5;
	p2 =	por !p2, p0  }
0x20: {  	[sflag:s8] =	ssyncset.s32 @!p0 $0xFFFFF086;
	s6 =	sadd.s32 @!p0 s3, s7;
	s7 =	simm.s32 @!p0 $0x108  }
0x21: {  	s3 =	sadd.s32 s3, s9;
	s6 =	sadd.s32 @!p0 $0x88, s6;
	s7 =	simm.s32 @p2 $0x1082  }
0x22: {  	[simem:s7], [sflag:s8] =	dma.local @!p0 [hbm:s6], $0xF7A  }
0x23: {  	s9 =	sor.u32 $0xD0000000, s2;
	s6 =	simm.s32 $0x108;
	_ =	swait.ge @!p0 [sflag:s8], $0x0  }
0x24: {  	s3 =	sadd.s32 $0x88, s3;
	s6 =	simm.s32 @!p1 $0x1082;
	[sflag:s4] =	ssyncset.s32 $0xFFFFF086  }
0x25: {  	[simem:s6], [sflag:s4] =	dma.local [hbm:s3], $0xF7A  }
0x26: {  	[smem:$0x3F9F] =	sst s1;
	(tag) =	ssettag s2;
	_ =	strace s9  }
0x27: {  	s1 =	sld [smem:$0x3FAF]  }
0x28: {  	s2 =	sld [smem:$0x3FB0]  }
0x29: {  	s4 =	sld [smem:$0x3FB2]  }
0x2a: {  	p0 =	seq.s32 s5, $0x0;
	s5 =	sld [smem:$0x3FB3]  }
0x2b: {  	s6 =	sld [smem:$0x3FB4]  }
0x2c: {  	s7 =	sld [smem:$0x3FB5]  }
0x2d: {  	s3 =	simm.s32 $0x108;
	s8 =	sld [smem:$0x3FB6]  }
0x2e: {  	s3 =	simm.s32 @!p0 $0x1082;
	s9 =	sld [smem:$0x3FB7]  }
0x2f: {  	lr =	sadd.s32 s0, s3;
	s0 =	sld [smem:$0x3FAE]  }
0x30: {  	s3 =	sld [smem:$0x3FB1]  }
0x31: {  	[smem:$0x3FBA] =	sst s10  }
0x32: {  	s10 =	sld [smem:$0x3FB8];
	_ =	sdelay $0x3  }
0x33: {  	p0 =	seq.s32 s10, $0x1;
	s10 =	sld [smem:$0x3FBA];
	_ =	sdelay $0x3  }
0x34: {  	[smem:$0x3FBA] =	sst s10  }
0x35: {  	s10 =	sld [smem:$0x3FB9];
	_ =	sdelay $0x3  }
0x36: {  	p1 =	seq.s32 s10, $0x1;
	s10 =	sld [smem:$0x3FBA];
	_ =	sdelay $0x3  }
0x37: {  	[smem:$0x3FBA] =	sst s10  }
0x38: {  	s10 =	sld [smem:$0x3FBB]  }
0x39: {  	_ = 	snop;
	(pc) =	sbr.ind lr, $3  }
0x3a: {  	_ = 	snop  }
0x3b: {  	_ = 	snop  }
0x3c: {  	p2 =	seq.s32 s10, $0x1;
	s10 =	sld [smem:$0x3FBA]  }
0x3d: {  	_ =	shalt  }
0x3e: {  	_ =	shalt  }
0x3f: {  	_ =	shalt  }
0x40: {  	_ =	shalt  }
0x41: {  	_ =	shalt  }
0x42: {  	_ =	shalt  }
0x43: {  	_ =	shalt  }
0x44: {  	_ =	shalt  }
0x45: {  	_ =	shalt  }
0x46: {  	_ =	shalt  }
0x47: {  	_ =	shalt  }
0x48: {  	_ =	shalt  }
0x49: {  	_ =	shalt  }
0x4a: {  	_ =	shalt  }
0x4b: {  	_ =	shalt  }
0x4c: {  	_ =	shalt  }
0x4d: {  	_ =	shalt  }
0x4e: {  	_ =	shalt  }
0x4f: {  	_ =	shalt  }
0x50: {  	_ =	shalt  }
0x51: {  	_ =	shalt  }
0x52: {  	_ =	shalt  }
0x53: {  	_ =	shalt  }
0x54: {  	_ =	shalt  }
0x55: {  	_ =	shalt  }
0x56: {  	_ =	shalt  }
0x57: {  	_ =	shalt  }
0x58: {  	_ =	shalt  }
0x59: {  	_ =	shalt  }
0x5a: {  	_ =	shalt  }
0x5b: {  	_ =	shalt  }
0x5c: {  	_ =	shalt  }
0x5d: {  	_ =	shalt  }
0x5e: {  	_ =	shalt  }
0x5f: {  	_ =	shalt  }
0x60: {  	_ =	shalt  }
0x61: {  	_ =	shalt  }
0x62: {  	_ =	shalt  }
0x63: {  	_ =	shalt  }
0x64: {  	_ =	shalt  }
0x65: {  	_ =	shalt  }
0x66: {  	_ =	shalt  }
0x67: {  	_ =	shalt  }
0x68: {  	_ =	shalt  }
0x69: {  	_ =	shalt  }
0x6a: {  	_ =	shalt  }
0x6b: {  	_ =	shalt  }
0x6c: {  	_ =	shalt  }
0x6d: {  	_ =	shalt  }
0x6e: {  	_ =	shalt  }
0x6f: {  	_ =	shalt  }
0x70: {  	_ =	shalt  }
0x71: {  	_ =	shalt  }
0x72: {  	_ =	shalt  }
0x73: {  	_ =	shalt  }
0x74: {  	_ =	shalt  }
0x75: {  	_ =	shalt  }
0x76: {  	_ =	shalt  }
0x77: {  	_ =	shalt  }
0x78: {  	_ =	shalt  }
0x79: {  	_ =	shalt  }
0x7a: {  	_ =	shalt  }
0x7b: {  	_ =	shalt  }
0x7c: {  	_ =	shalt  }
0x7d: {  	_ =	shalt  }
0x7e: {  	_ =	shalt  }
0x7f: {  	_ =	shalt  }
0x80: {  	_ =	shalt  }
0x81: {  	_ =	shalt  }
0x82: {  	_ =	shalt  }
0x83: {  	_ =	shalt  }
0x84: {  	_ =	shalt  }
0x85: {  	_ =	shalt  }
0x86: {  	_ =	shalt  }
0x87: {  	_ =	shalt  }
.Lfunc_end0:
.L_simem_size_0:
called_computation_lowered:
.L_overlay_start_0:
0x88: {  	s0 =	sld [smem:$0x3FD9]  }
0x89: {  	s1 =	sld [smem:$0x3FFE];
	_ =	sdelay $0x3  }
0x8a: {  	s0 =	sadd.s32 s1, s0  }
0x8b: {  	[smem:$0x3FC6] =	sst s0  }
0x8c: {  	_ = 	snop  }
0x8d: {  	s0 =	sld [smem:$0x3FC8];
	(tm) =	ssettm $0x1  }
0x8e: {  	s16 =	sld [smem:$0x3FFB];
	_ =	sdelay $0x3  }
0x8f: {  	_ =	strace s16  }
0x90: {  	s1 =	sld [smem:$0x3FFC];
	_ =	sdelay $0x3  }
0x91: {  	_ =	strace s1  }
0x92: {  	s1 =	sld [smem:$0x3FFD];
	_ =	sdelay $0x3  }
0x93: {  	_ =	strace s1  }
0x94: {  	_ =	strace $0x8FFFFFFF  }
0x95: {  	s17 =	sld [smem:$0x3FDB];
	_ =	sdelay $0x1  }
0x96: {  	s2 =	simm.s32 $_scs_section_size  }
0x97: {  	s3 =	simm.s32 $_size__tile_overlayer_lowered;
	s4 =	simm.s32 $_tile_overlayer_lowered  }
0x98: {  	s20 =	simm.s32 $0x1BFF;
	s19 =	sshll.u32 s4, $0x1;
	s1 =	sadd.s32 s2, s17  }
0x99: {  	s5 =	simm.s32 $0x0;
	s18 =	sshll.u32 s3, $0x1;
	s3 =	sadd.s32 s19, s1  }
0x9a: {  	[timem:s5], [sflag:s20] =	dma.local [hbm:s3], s18  }
0x9b: {  	_ =	swait.ge [sflag:s20], s18  }
0x9c: {  	s2 =	ssub.s32 $0x0, s18;
	[sflag:s20] =	ssyncset.done $0x0  }
0x9d: {  	[sflag:s20] =	ssyncadd.s32 s2;
	_ =	sdelay $0x1  }
0x9e: {  	s21 =	simm.s32 $0x1B8B  }
0x9f: {  	_ =	swait.ge [sflag:s21], $0x1  }
0xa0: {  	[sflag:s21] =	ssyncset.done $0x0  }
0xa1: {  	s23 =	simm.s32 $0x1B8E;
	s22 =	sld [smem:$0x3FFE];
	[sflag:s21] =	ssyncadd.s32 $0xFFFFFFFF  }
0xa2: {  	s24 =	simm.s32 $execute0_lowered;
	[smem:$0x3FD2] =	sst s23  }
0xa3: {  	s3 =	sshll.u32 s24, $0x1;
	_ =	strace $0x80000046;
	[dreg:$0x1] =	wrdreg $0xFFFFFFFF  }
0xa4: {  	s25 =	simm.s32 $_size_execute0_lowered;
	s1 =	sadd.s32 s1, s3;
	[dreg:$0x0] =	wrdreg $0x0  }
0xa5: {  	s3 =	sshll.u32 s25, $0x1;
	[dreg:$0x2] =	wrdreg s1  }
0xa6: {  	[dreg:$0x3] =	wrdreg s3  }
0xa7: {  	[dreg:$0x4] =	wrdreg $0xC0  }
0xa8: {  	_ =	task [dreg:s5], $0x5FFFF  }
0xa9: {  	[dreg:$0x1] =	wrdreg $0xFFFFFFFF  }
0xaa: {  	[dreg:$0x0] =	wrdreg $0x60  }
0xab: {  	[dreg:$0x2] =	wrdreg s0  }
0xac: {  	[dreg:$0x3] =	wrdreg s22  }
0xad: {  	[dreg:$0x4] =	wrdreg $0x9  }
0xae: {  	_ =	task.clear_ibuf [dreg:s5], $0x5FFFF;
	_ =	strace $0x90000046  }
0xaf: {  	s26 =	simm.s32 $0x9;
	_ =	strace $0x80000048  }
0xb0: {  	_ =	swait.ge [sflag:s26], $0x1  }
0xb1: {  	[sflag:s26] =	ssyncadd.s32 $0xFFFFFFFF  }
0xb2: {  	_ =	strace $0x90000048  }
0xb3: {  	_ =	sfence  }
0xb4: {  	s28 =	sld [smem:$0x0];
	_ =	sdelay $0x1  }
0xb5: {  	s29 =	srdreg.scid  }
0xb6: {  	s30 =	sshll.u32 s29, $0xD;
	s31 =	sshrl.u32 s29, $0x2  }
0xb7: {  	s2 =	sand.u32 $0x4000, s30;
	s1 =	sand.u32 $0x1, s29;
	s0 =	sadd.s32 s31, s28  }
0xb8: {  	s1 =	sor.u32 s2, s1;
	s0 =	sshll.u32 s0, $0x11  }
0xb9: {  	s0 =	sor.u32 s0, s1  }
0xba: {  	s0 =	sadd.s32 $0x8F2B, s0  }
0xbb: {  	[sflag:s0] =	ssyncadd.remote.s32 $0x1  }
0xbc: {  	_ =	sfence.sel $0xFFFF  }
0xbd: {  	[dreg:$0x0] =	wrdreg $0xFFFFFFFF;
	(pc) =	sbr.abs _section_cstart, $3  }
0xbe: {  	[dreg:$0x1] =	wrdreg $0xFFFFFFFF  }
0xbf: {  	_ =	task.clear_ibuf [dreg:s5], $0x2FFFF;
	_ =	strace $0x9FFFFFFF  }
0xc0: {  	(tm) =	ssettm $0x7FFFFFFF  }
0xc1: {  	_ =	shalt  }
tec
execute0_lowered:
.L_overlay_start_1:
0x0: {  	(tag) =	ssettag $0x1  }
0x1: {  	s4 =	rddreg [dreg:$0x0]  }
0x2: {  	s2 =	rddreg [dreg:$0x1]  }
0x3: {  	s0 =	rddreg [dreg:$0x2];
	s3 =	simm.s32 $0x0;
	s1 =	stileid.u32  }
0x4: {  	[smem:$0x7FF] =	sst s3;
	s5 =	sshll.u32 s1, $0x8  }
0x5: {  	s31 =	simm.s32 $0x1;
	_ =	strace $0x80000047;
	s4 =	sadd.s32 s4, s5  }
0x6: {  	[tilespmem:s3], [sflag:$0x1] =	stream.linear.gather [hbm4b:s4+s3], $0x800, $0x38;
	[tilespmem:$0xC80] =	vst v63  }
0x7: {  	_ =	swait.ge [sflag:s31], $0x800  }
0x8: {  	[sflag:s31] =	ssyncset.done $0x0  }
0x9: {  	v0 =	vimm.f32 $0.0e+00;
	s4 =	simm.s32 $0x0;
	[sflag:s31] =	ssyncadd.s32 $0xFFFFF800  }
.LBB2_1:
0xa: {  	p0 =	sne.s32 s4, $0xFC0  }
.Ltmp0:
0xb: {  	_ = 	snop;
	(pc) =	sbr.rel @p0 .LBB2_1-.Ltmp0, $3  }
0xc: {  	_ =	sdelay $0x1  }
0xd: {  	s5 =	sshra.s32 s4, $0x2  }
0xe: {  	s4 =	sadd.s32 $0x40, s4;
	[tilespmem:s5+$0x800] =	vst v0  }
0xf: {  	v0 =	vlaneseq.u32  }
0x10: {  	v1 =	vimm.f32 $1.000000000e+00;
	s4 =	simm.s32 $0x800;
	v0 =	vmul.u32 $0x40, v0  }
.LBB2_3:
0x11: {  	s5 =	sshra.s32 s3, $0x2  }
0x12: {  	v2 =	vld [tilespmem:s5+$0x0];
	_ =	sdelay $0x4  }
0x13: {  	v2 =	vadd.s32 v0, v2;
	_ =	sdelay $0x4  }
0x14: {  	[tilespmem:v2+s4+$0x0] =	vst.idx.add.f32.msk $0xffff, v1  }
0x15: {  	v2 =	vld [tilespmem:s5+$0x10];
	_ =	sdelay $0x4  }
0x16: {  	v2 =	vadd.s32 v0, v2;
	_ =	sdelay $0x4  }
0x17: {  	[tilespmem:v2+s4+$0x0] =	vst.idx.add.f32.msk $0xffff, v1  }
0x18: {  	v2 =	vld [tilespmem:s5+$0x20];
	_ =	sdelay $0x4  }
0x19: {  	v2 =	vadd.s32 v0, v2;
	_ =	sdelay $0x4  }
0x1a: {  	[tilespmem:v2+s4+$0x0] =	vst.idx.add.f32.msk $0xffff, v1  }
0x1b: {  	v2 =	vld [tilespmem:s5+$0x30];
	_ =	sdelay $0x4  }
0x1c: {  	p0 =	sne.s32 s3, $0x1F00;
	v2 =	vadd.s32 v0, v2  }
.Ltmp1:
0x1d: {  	_ = 	snop;
	(pc) =	sbr.rel @p0 .LBB2_3-.Ltmp1, $2  }
0x1e: {  	_ =	sdelay $0x2  }
0x1f: {  	s3 =	sadd.s32 $0x100, s3;
	[tilespmem:v2+s4+$0x0] =	vst.idx.add.f32.msk $0xffff, v1  }
0x20: {  	s4 =	simm.s32 $0x0  }
0x21: {  	v1 =	vld [tilespmem:s4+$0x830]  }
0x22: {  	v2 =	vld [tilespmem:s4+$0x800]  }
0x23: {  	v0 =	vimm.f32 $0.0e+00;
	v3 =	vld [tilespmem:s4+$0x810]  }
0x24: {  	s3 =	simm.s32 $0x100;
	v5 =	vimm.f32 $0.0e+00;
	v6 =	vimm.f32 $0.0e+00;
	v7 =	vimm.f32 $0.0e+00;
	v4 =	vld [tilespmem:s4+$0x820]  }
.LBB2_5:
0x25: {  	p0 =	sne.s32 s3, $0xF00  }
.Ltmp2:
0x26: {  	s4 =	sshra.s32 s3, $0x2;
	s3 =	sadd.s32 $0x100, s3;
	v0 =	vadd.f32 v1, v0;
	(pc) =	sbr.rel @p0 .LBB2_5-.Ltmp2, $4  }
0x27: {  	v1 =	vld [tilespmem:s4+$0x830];
	v5 =	vadd.f32 v2, v5  }
0x28: {  	v2 =	vld [tilespmem:s4+$0x800];
	v6 =	vadd.f32 v3, v6  }
0x29: {  	v3 =	vld [tilespmem:s4+$0x810];
	v7 =	vadd.f32 v4, v7  }
0x2a: {  	v4 =	vld [tilespmem:s4+$0x820]  }
0x2b: {  	_ = 	snop  }
0x2c: {  	v0 =	vadd.f32 v1, v0  }
0x2d: {  	v2 =	vadd.f32 v2, v5  }
0x2e: {  	v3 =	vadd.f32 v3, v6;
	[tilespmem:$0xC30] =	vst v0  }
0x2f: {  	v4 =	vadd.f32 v4, v7;
	[tilespmem:$0xC00] =	vst v2  }
0x30: {  	s3 =	sshll.u32 s1, $0x4;
	s30 =	simm.s32 $0x0;
	[tilespmem:$0xC10] =	vst v3  }
0x31: {  	s4 =	simm.s32 $0xC00;
	s31 =	simm.s32 $0x1;
	s2 =	sadd.s32 s2, s3;
	[tilespmem:$0xC20] =	vst v4  }
0x32: {  	[hbm4b:s2+s30] =	stream.linear.scatter [tilespmem:s4], [sflag:$0x1], $0x80, $0x38;
	[tilespmem:$0xC80] =	vst v63  }
0x33: {  	_ =	swait.ge [sflag:s31], $0x80  }
0x34: {  	[sflag:s31] =	ssyncset.done $0x0  }
0x35: {  	[sflag:s31] =	ssyncadd.s32 $0xFFFFFF80  }
0x36: {  	_ =	sfence.sel $0x180000  }
0x37: {  	[bflag:$0x0] =	sbarrier.arrive $0xFFFF  }
0x38: {  	p0 =	sne.s32 s1, $0x0;
	_ =	strace $0x90000047  }
0x39: {  	s0 =	sadd.s32 @!p0 $0x100000, s0;
	[bflag:$0x2] =	sbarrier.arrive $0xFFFF  }
0x3a: {  	[sflag:s0] =	ssyncadd.tile.s32 @!p0 $0x1;
	_ =	shalt  }
.Lfunc_end2:
_tile_overlayer_lowered:
.L_overlay_start_2:
0x3b: {  	(tag) =	ssettag $0x2  }
0x3c: {  	s0 =	rddreg [dreg:$0x0];
	s2 =	stileid.u32  }
0x3d: {  	s1 =	rddreg [dreg:$0x1];
	p0 =	sne.s32 s2, $0x0  }
0x3e: {  	s3 =	rddreg [dreg:$0x2];
	[bflag:$0x3] =	sbarrier.arrive $0xFFFF;
	s2 =	simm.s32 @!p0 $0x1C01  }
0x3f: {  	[timem:s3], [sflag:s2] =	dma.local @!p0 [hbm:s0], s1  }
0x40: {  	s0 =	simm.s32 @!p0 $0x1  }
0x41: {  	_ =	swait.ge @!p0 [sflag:s0], s1  }
0x42: {  	s1 =	ssub.s32 @!p0 $0x0, s1;
	[sflag:s0] =	ssyncset.done @!p0 $0x0  }
0x43: {  	[sflag:s0] =	ssyncadd.s32 @!p0 s1  }
0x44: {  	[bflag:$0x3] =	sbarrier.arrive $0xFFFF  }
0x45: {  	_ =	shalt  }

</sc_bundles>
